<compile_context>
chip_gen: v7x
topology: tpu7x:2x2x1
jax: 0.10.2.dev20260603
libtpu: 0.0.44.dev20260713+nightly
codegen_flags: <defaults>
</compile_context>

<pallas_src>
import jax
import jax.numpy as jnp
from jax import lax
from jax.experimental import pallas as pl
from jax.experimental.pallas import tpu as pltpu
from jax.experimental.pallas import tpu_sc as plsc

N = 10000
E = 320000
D = 128
DE = 16
DO = 128
DA = 32

NC = 2
NS = 16
H = 5120
HA = H + 8
EPT = E // NS
C = 80
NB = 2
CIT = EPT // C
RPW = H // NS


def _sc_body(nf_hbm, src_hbm, dst_hbm, ef_hbm, zbig_hbm, zsmall_hbm,
             s1o, s2o,
             src_v, dst_v, rows_v, efa_v,
             s1_sh, s2_sh, sem):
    cid = lax.axis_index("c")
    sid = lax.axis_index("s")
    off = cid * H

    r0 = sid * RPW
    pltpu.sync_copy(zbig_hbm, rows_v.at[0])
    pltpu.sync_copy(zsmall_hbm, efa_v.at[0])
    for k in range(RPW // C):
        pltpu.sync_copy(rows_v.at[0], s1_sh.at[pl.ds(r0 + k * C, C)])
        pltpu.sync_copy(efa_v.at[0], s2_sh.at[pl.ds(r0 + k * C, C)])
    plsc.subcore_barrier()

    e0 = sid * EPT

    @plsc.parallel_loop(0, CIT)
    def step(it):
        b = lax.rem(it, NB)
        base = e0 + it * C
        pltpu.sync_copy(src_hbm.at[pl.ds(base, C)], src_v.at[b])
        pltpu.sync_copy(dst_hbm.at[pl.ds(cid * E + base, C)], dst_v.at[b])
        pltpu.sync_copy(nf_hbm.at[src_v.at[b]], rows_v.at[b])
        pltpu.sync_copy(ef_hbm.at[pl.ds(base, C)], efa_v.at[b])
        pltpu.sync_copy(rows_v.at[b], s1_sh.at[dst_v.at[b]], add=True)
        pltpu.sync_copy(efa_v.at[b], s2_sh.at[dst_v.at[b]], add=True)

    plsc.subcore_barrier()

    for k in range(RPW // C):
        ofk = r0 + k * C
        pltpu.sync_copy(s1_sh.at[pl.ds(ofk, C)], rows_v.at[0])
        pltpu.sync_copy(rows_v.at[0], s1o.at[cid, pl.ds(ofk, C)])
        pltpu.sync_copy(s2_sh.at[pl.ds(ofk, C)], efa_v.at[0])
        pltpu.sync_copy(efa_v.at[0], s2o.at[cid, pl.ds(ofk, C)])


_sc_agg = pl.kernel(
    _sc_body,
    out_type=(
        jax.ShapeDtypeStruct((NC, H, D), jnp.float32),
        jax.ShapeDtypeStruct((NC, H, DA), jnp.float32),
    ),
    mesh=plsc.VectorSubcoreMesh(core_axis_name="c", subcore_axis_name="s"),
    compiler_params=pltpu.CompilerParams(use_tc_tiling_on_sc=False),
    scratch_types=[
        pltpu.VMEM((NB, C), jnp.int32),
        pltpu.VMEM((NB, C), jnp.int32),
        pltpu.VMEM((NB, C, D), jnp.float32),
        pltpu.VMEM((NB, C, DA), jnp.float32),
        pltpu.VMEM_SHARED((HA, D), jnp.float32),
        pltpu.VMEM_SHARED((HA, DA), jnp.float32),
        pltpu.SemaphoreType.DMA,
    ],
)

BT = 640


def _tc_body(nf, s1p, s2p, w1t, w2t, wa1t, wa2t, bm, ba, out):
    s1 = s1p[0]
    s2a = s2p[0]
    s2 = s2a[:, 0:DE]
    cnt = s2a[:, DE:DE + 1]
    msum = (jnp.dot(s1, w1t[...], preferred_element_type=jnp.float32)
            + jnp.dot(s2, w2t[...], preferred_element_type=jnp.float32)
            + cnt * bm[...])
    hn = msum / jnp.maximum(cnt, 1.0)
    h = (jnp.dot(nf[...], wa1t[...], preferred_element_type=jnp.float32)
         + jnp.dot(hn, wa2t[...], preferred_element_type=jnp.float32)
         + ba[...])
    out[...] = jnp.maximum(h, 0.0)


_tc_apply = pl.pallas_call(
    _tc_body,
    grid=(NC, H // BT),
    in_specs=[
        pl.BlockSpec((BT, D), lambda c, j: (c * (H // BT) + j, 0)),
        pl.BlockSpec((1, BT, D), lambda c, j: (c, j, 0)),
        pl.BlockSpec((1, BT, DA), lambda c, j: (c, j, 0)),
        pl.BlockSpec((D, DO), lambda c, j: (0, 0)),
        pl.BlockSpec((DE, DO), lambda c, j: (0, 0)),
        pl.BlockSpec((D, DO), lambda c, j: (0, 0)),
        pl.BlockSpec((DO, DO), lambda c, j: (0, 0)),
        pl.BlockSpec((1, DO), lambda c, j: (0, 0)),
        pl.BlockSpec((1, DO), lambda c, j: (0, 0)),
    ],
    out_specs=pl.BlockSpec((BT, DO), lambda c, j: (c * (H // BT) + j, 0)),
    out_shape=jax.ShapeDtypeStruct((N, DO), jnp.float32),
)


def kernel(nfeats, edge_index, efeats, W_msg, b_msg, W_apply, b_apply):
    zbig = jnp.zeros((C, D), jnp.float32)
    zsmall = jnp.zeros((C, DA), jnp.float32)
    efa = jnp.concatenate(
        [efeats,
         jnp.ones((E, 1), jnp.float32),
         jnp.zeros((E, DA - DE - 1), jnp.float32)], axis=1)
    dst = edge_index[1]
    dst_both = jnp.concatenate([
        jnp.where(dst < H, dst, H),
        jnp.where(dst >= H, dst - H, H),
    ]).astype(jnp.int32)
    s1p, s2p = _sc_agg(nfeats, edge_index[0], dst_both, efa,
                       zbig, zsmall)
    w1t = W_msg[:, :D].T
    w2t = W_msg[:, D:].T
    wa1t = W_apply[:, :D].T
    wa2t = W_apply[:, D:].T
    return _tc_apply(nfeats, s1p, s2p, w1t, w2t, wa1t, wa2t,
                     b_msg.reshape(1, DO), b_apply.reshape(1, DO))

# --- scband reference (transcript-rebuilt; emitter-appended) ---
"""Pipeline reference for scband-egraph-sagelayer-56057913147664 (READ-ONLY COPY).

The authoritative reference and input builder live on the scoring server;
editing this copy changes nothing except your own understanding.
"""

import jax, jax.numpy as jnp
import numpy as np

N = 10000
E = 320000
D = 128
DE = 16
DO = 128


def setup_inputs(seed: int = 0) -> dict:
    key = jax.random.key(seed)
    ks = jax.random.split(key, 6)
    nfeats = jax.random.normal(ks[0], (N, D), dtype=jnp.float32)
    edge_index = jax.random.randint(ks[1], (2, E), 0, N, dtype=jnp.int32)
    efeats = jax.random.normal(ks[2], (E, DE), dtype=jnp.float32)
    # nn.Linear(node_in_dim + edge_dim, node_out_dim): W [DO, D+DE], b [DO]
    W_msg = jax.random.normal(ks[3], (DO, D + DE), dtype=jnp.float32) * 0.05
    b_msg = jnp.zeros((DO,), dtype=jnp.float32)
    # nn.Linear(node_in_dim + node_out_dim, node_out_dim): W [DO, D+DO], b [DO]
    W_apply = jax.random.normal(ks[4], (DO, D + DO), dtype=jnp.float32) * 0.05
    b_apply = jnp.zeros((DO,), dtype=jnp.float32)
    return {
        "nfeats": nfeats,
        "edge_index": edge_index,
        "efeats": efeats,
        "W_msg": W_msg,
        "b_msg": b_msg,
        "W_apply": W_apply,
        "b_apply": b_apply,
    }


def reference(nfeats, edge_index, efeats, W_msg, b_msg, W_apply, b_apply):
    src = edge_index[0]
    dst = edge_index[1]
    # message_func: m = W_msg(cat([h_src, e_feat], -1))
    m = jnp.concatenate([jnp.take(nfeats, src, axis=0), efeats], axis=-1) @ W_msg.T + b_msg
    # fn.mean('m', 'h_neigh'): mean of incoming messages per destination node
    msum = jax.ops.segment_sum(m, dst, num_segments=N)
    cnt = jax.ops.segment_sum(jnp.ones((E,), dtype=jnp.float32), dst, num_segments=N)
    h_neigh = msum / jnp.maximum(cnt, 1.0)[:, None]
    # apply: activation(W_apply(cat([h, h_neigh], -1)))
    h = jnp.concatenate([nfeats, h_neigh], axis=-1) @ W_apply.T + b_apply
    return jax.nn.relu(h)

if __name__ == "__main__":
    import jax
    _d = setup_inputs()
    print(jax.jit(kernel)(*tuple(_d.values())))

</pallas_src>

<mosaic_0001>
#map = affine_map<(d0, d1) -> (0, 0)>
#map1 = affine_map<(d0, d1) -> (0)>
#map2 = affine_map<(d0, d1) -> (0, 0, 0)>
module attributes {stable_mosaic.version = 14 : i64} {
  func.func @_sc_body(%arg0: i32, %arg1: i32, %arg2: memref<10000x128xf32, #tpu.memory_space<hbm>>, %arg3: memref<320000xi32, #tpu.memory_space<hbm>>, %arg4: memref<640000xi32, #tpu.memory_space<hbm>>, %arg5: memref<320000x32xf32, #tpu.memory_space<hbm>>, %arg6: memref<80x128xf32, #tpu.memory_space<hbm>>, %arg7: memref<80x32xf32, #tpu.memory_space<hbm>>, %arg8: memref<2x5120x128xf32, #tpu.memory_space<hbm>>, %arg9: memref<2x5120x32xf32, #tpu.memory_space<hbm>>, %arg10: memref<2x80xi32, #tpu.memory_space<vmem>>, %arg11: memref<2x80xi32, #tpu.memory_space<vmem>>, %arg12: memref<2x80x128xf32, #tpu.memory_space<vmem>>, %arg13: memref<2x80x32xf32, #tpu.memory_space<vmem>>, %arg14: memref<5128x128xf32, #tpu.memory_space<vmem_shared>>, %arg15: memref<5128x32xf32, #tpu.memory_space<vmem_shared>>, %arg16: memref<!tpu.dma_semaphore, #tpu.memory_space<semaphore_mem>>) attributes {dimension_semantics = [#tpu.dimension_semantics<core_parallel>, #tpu.dimension_semantics<subcore_parallel>], iteration_bounds = array<i64: 2, 16>, scalar_prefetch = 0 : i64, scratch_operands = 7 : i64, tpu.core_type = #tpu.core_type<sc_vector_subcore>, window_params = [{transform_indices = #map}, {transform_indices = #map1}, {transform_indices = #map1}, {transform_indices = #map}, {transform_indices = #map}, {transform_indices = #map}, {transform_indices = #map2}, {transform_indices = #map2}]} {
    %mul3A = arith.constant 5120 : i32
    %mul3A_0 = arith.muli %arg0, %mul3A : i32
    %mul3A_1 = arith.constant 320 : i32
    %mul3A_2 = arith.muli %arg1, %mul3A_1 : i32
    %run_scoped3A = arith.constant 0 : i32
    "tpu.region"() ({
      %run_scoped3A_56 = tpu.sem_alloc : memref<!tpu.dma_semaphore, #tpu.memory_space<semaphore_mem>>
      %dma_start3A = arith.constant 0 : i32
      %dma_start3A_57 = arith.constant 0 : i32
      %dma_start3A_58 = tpu.memref_slice %arg12[%run_scoped3A, %dma_start3A, %dma_start3A_57] : memref<2x80x128xf32, #tpu.memory_space<vmem>> -> memref<1x80x128xf32, #tpu.memory_space<vmem>>
      %dma_start3A_59 = tpu.memref_squeeze %dma_start3A_58 : memref<1x80x128xf32, #tpu.memory_space<vmem>> -> memref<80x128xf32, #tpu.memory_space<vmem>>
      %dma_start3A_60 = arith.constant 0 : i32
      %dma_start3A_61 = arith.constant 0 : i32
      %dma_start3A_62 = tpu.memref_slice %arg12[%run_scoped3A, %dma_start3A_60, %dma_start3A_61] : memref<2x80x128xf32, #tpu.memory_space<vmem>> -> memref<1x80x128xf32, #tpu.memory_space<vmem>>
      %dma_start3A_63 = tpu.memref_squeeze %dma_start3A_62 : memref<1x80x128xf32, #tpu.memory_space<vmem>> -> memref<80x128xf32, #tpu.memory_space<vmem>>
      tpu.enqueue_dma source(%arg6 : memref<80x128xf32, #tpu.memory_space<hbm>>) target(%dma_start3A_63 : memref<80x128xf32, #tpu.memory_space<vmem>>) target_semaphore(%run_scoped3A_56 : memref<!tpu.dma_semaphore, #tpu.memory_space<semaphore_mem>>)
      %dma_wait3A = arith.constant 0 : i32
      %dma_wait3A_64 = arith.constant 0 : i32
      %dma_wait3A_65 = tpu.memref_slice %arg12[%run_scoped3A, %dma_wait3A, %dma_wait3A_64] : memref<2x80x128xf32, #tpu.memory_space<vmem>> -> memref<1x80x128xf32, #tpu.memory_space<vmem>>
      %dma_wait3A_66 = tpu.memref_squeeze %dma_wait3A_65 : memref<1x80x128xf32, #tpu.memory_space<vmem>> -> memref<80x128xf32, #tpu.memory_space<vmem>>
      %dma_wait3A_67 = arith.constant 0 : i32
      %dma_wait3A_68 = arith.constant 0 : i32
      %dma_wait3A_69 = tpu.memref_slice %arg12[%run_scoped3A, %dma_wait3A_67, %dma_wait3A_68] : memref<2x80x128xf32, #tpu.memory_space<vmem>> -> memref<1x80x128xf32, #tpu.memory_space<vmem>>
      %dma_wait3A_70 = tpu.memref_squeeze %dma_wait3A_69 : memref<1x80x128xf32, #tpu.memory_space<vmem>> -> memref<80x128xf32, #tpu.memory_space<vmem>>
      tpu.wait_dma2 semaphore(%run_scoped3A_56 : memref<!tpu.dma_semaphore, #tpu.memory_space<semaphore_mem>>) src(%arg6 : memref<80x128xf32, #tpu.memory_space<hbm>>) dst(%dma_wait3A_70 : memref<80x128xf32, #tpu.memory_space<vmem>>)
      tpu.yield
    }) : () -> ()
    %run_scoped3A_3 = arith.constant 0 : i32
    "tpu.region"() ({
      %run_scoped3A_56 = tpu.sem_alloc : memref<!tpu.dma_semaphore, #tpu.memory_space<semaphore_mem>>
      %dma_start3A = arith.constant 0 : i32
      %dma_start3A_57 = arith.constant 0 : i32
      %dma_start3A_58 = tpu.memref_slice %arg13[%run_scoped3A_3, %dma_start3A, %dma_start3A_57] : memref<2x80x32xf32, #tpu.memory_space<vmem>> -> memref<1x80x32xf32, #tpu.memory_space<vmem>>
      %dma_start3A_59 = tpu.memref_squeeze %dma_start3A_58 : memref<1x80x32xf32, #tpu.memory_space<vmem>> -> memref<80x32xf32, #tpu.memory_space<vmem>>
      %dma_start3A_60 = arith.constant 0 : i32
      %dma_start3A_61 = arith.constant 0 : i32
      %dma_start3A_62 = tpu.memref_slice %arg13[%run_scoped3A_3, %dma_start3A_60, %dma_start3A_61] : memref<2x80x32xf32, #tpu.memory_space<vmem>> -> memref<1x80x32xf32, #tpu.memory_space<vmem>>
      %dma_start3A_63 = tpu.memref_squeeze %dma_start3A_62 : memref<1x80x32xf32, #tpu.memory_space<vmem>> -> memref<80x32xf32, #tpu.memory_space<vmem>>
      tpu.enqueue_dma source(%arg7 : memref<80x32xf32, #tpu.memory_space<hbm>>) target(%dma_start3A_63 : memref<80x32xf32, #tpu.memory_space<vmem>>) target_semaphore(%run_scoped3A_56 : memref<!tpu.dma_semaphore, #tpu.memory_space<semaphore_mem>>)
      %dma_wait3A = arith.constant 0 : i32
      %dma_wait3A_64 = arith.constant 0 : i32
      %dma_wait3A_65 = tpu.memref_slice %arg13[%run_scoped3A_3, %dma_wait3A, %dma_wait3A_64] : memref<2x80x32xf32, #tpu.memory_space<vmem>> -> memref<1x80x32xf32, #tpu.memory_space<vmem>>
      %dma_wait3A_66 = tpu.memref_squeeze %dma_wait3A_65 : memref<1x80x32xf32, #tpu.memory_space<vmem>> -> memref<80x32xf32, #tpu.memory_space<vmem>>
      %dma_wait3A_67 = arith.constant 0 : i32
      %dma_wait3A_68 = arith.constant 0 : i32
      %dma_wait3A_69 = tpu.memref_slice %arg13[%run_scoped3A_3, %dma_wait3A_67, %dma_wait3A_68] : memref<2x80x32xf32, #tpu.memory_space<vmem>> -> memref<1x80x32xf32, #tpu.memory_space<vmem>>
      %dma_wait3A_70 = tpu.memref_squeeze %dma_wait3A_69 : memref<1x80x32xf32, #tpu.memory_space<vmem>> -> memref<80x32xf32, #tpu.memory_space<vmem>>
      tpu.wait_dma2 semaphore(%run_scoped3A_56 : memref<!tpu.dma_semaphore, #tpu.memory_space<semaphore_mem>>) src(%arg7 : memref<80x32xf32, #tpu.memory_space<hbm>>) dst(%dma_wait3A_70 : memref<80x32xf32, #tpu.memory_space<vmem>>)
      tpu.yield
    }) : () -> ()
    %add3A = arith.constant 0 : i32
    %add3A_4 = arith.addi %mul3A_2, %add3A : i32
    %run_scoped3A_5 = arith.constant 0 : i32
    "tpu.region"() ({
      %run_scoped3A_56 = tpu.sem_alloc : memref<!tpu.dma_semaphore, #tpu.memory_space<semaphore_mem>>
      %dma_start3A = arith.constant 0 : i32
      %dma_start3A_57 = arith.constant 0 : i32
      %dma_start3A_58 = tpu.memref_slice %arg12[%run_scoped3A_5, %dma_start3A, %dma_start3A_57] : memref<2x80x128xf32, #tpu.memory_space<vmem>> -> memref<1x80x128xf32, #tpu.memory_space<vmem>>
      %dma_start3A_59 = tpu.memref_squeeze %dma_start3A_58 : memref<1x80x128xf32, #tpu.memory_space<vmem>> -> memref<80x128xf32, #tpu.memory_space<vmem>>
      %dma_start3A_60 = arith.constant 0 : i32
      %dma_start3A_61 = tpu.memref_slice %arg14[%add3A_4, %dma_start3A_60] : memref<5128x128xf32, #tpu.memory_space<vmem_shared>> -> memref<80x128xf32, #tpu.memory_space<vmem_shared>>
      %dma_start3A_62 = arith.constant 0 : i32
      %dma_start3A_63 = tpu.memref_slice %arg14[%add3A_4, %dma_start3A_62] : memref<5128x128xf32, #tpu.memory_space<vmem_shared>> -> memref<80x128xf32, #tpu.memory_space<vmem_shared>>
      %dma_start3A_64 = arith.constant 0 : i32
      %dma_start3A_65 = arith.constant 0 : i32
      %dma_start3A_66 = tpu.memref_slice %arg12[%run_scoped3A_5, %dma_start3A_64, %dma_start3A_65] : memref<2x80x128xf32, #tpu.memory_space<vmem>> -> memref<1x80x128xf32, #tpu.memory_space<vmem>>
      %dma_start3A_67 = tpu.memref_squeeze %dma_start3A_66 : memref<1x80x128xf32, #tpu.memory_space<vmem>> -> memref<80x128xf32, #tpu.memory_space<vmem>>
      tpu.enqueue_dma source(%dma_start3A_67 : memref<80x128xf32, #tpu.memory_space<vmem>>) target(%dma_start3A_63 : memref<80x128xf32, #tpu.memory_space<vmem_shared>>) target_semaphore(%run_scoped3A_56 : memref<!tpu.dma_semaphore, #tpu.memory_space<semaphore_mem>>)
      %dma_wait3A = arith.constant 0 : i32
      %dma_wait3A_68 = arith.constant 0 : i32
      %dma_wait3A_69 = tpu.memref_slice %arg12[%run_scoped3A_5, %dma_wait3A, %dma_wait3A_68] : memref<2x80x128xf32, #tpu.memory_space<vmem>> -> memref<1x80x128xf32, #tpu.memory_space<vmem>>
      %dma_wait3A_70 = tpu.memref_squeeze %dma_wait3A_69 : memref<1x80x128xf32, #tpu.memory_space<vmem>> -> memref<80x128xf32, #tpu.memory_space<vmem>>
      %dma_wait3A_71 = arith.constant 0 : i32
      %dma_wait3A_72 = tpu.memref_slice %arg14[%add3A_4, %dma_wait3A_71] : memref<5128x128xf32, #tpu.memory_space<vmem_shared>> -> memref<80x128xf32, #tpu.memory_space<vmem_shared>>
      %dma_wait3A_73 = arith.constant 0 : i32
      %dma_wait3A_74 = tpu.memref_slice %arg14[%add3A_4, %dma_wait3A_73] : memref<5128x128xf32, #tpu.memory_space<vmem_shared>> -> memref<80x128xf32, #tpu.memory_space<vmem_shared>>
      %dma_wait3A_75 = arith.constant 0 : i32
      %dma_wait3A_76 = arith.constant 0 : i32
      %dma_wait3A_77 = tpu.memref_slice %arg12[%run_scoped3A_5, %dma_wait3A_75, %dma_wait3A_76] : memref<2x80x128xf32, #tpu.memory_space<vmem>> -> memref<1x80x128xf32, #tpu.memory_space<vmem>>
      %dma_wait3A_78 = tpu.memref_squeeze %dma_wait3A_77 : memref<1x80x128xf32, #tpu.memory_space<vmem>> -> memref<80x128xf32, #tpu.memory_space<vmem>>
      tpu.wait_dma2 semaphore(%run_scoped3A_56 : memref<!tpu.dma_semaphore, #tpu.memory_space<semaphore_mem>>) src(%dma_wait3A_78 : memref<80x128xf32, #tpu.memory_space<vmem>>) dst(%dma_wait3A_74 : memref<80x128xf32, #tpu.memory_space<vmem_shared>>)
      tpu.yield
    }) : () -> ()
    %add3A_6 = arith.constant 0 : i32
    %add3A_7 = arith.addi %mul3A_2, %add3A_6 : i32
    %run_scoped3A_8 = arith.constant 0 : i32
    "tpu.region"() ({
      %run_scoped3A_56 = tpu.sem_alloc : memref<!tpu.dma_semaphore, #tpu.memory_space<semaphore_mem>>
      %dma_start3A = arith.constant 0 : i32
      %dma_start3A_57 = arith.constant 0 : i32
      %dma_start3A_58 = tpu.memref_slice %arg13[%run_scoped3A_8, %dma_start3A, %dma_start3A_57] : memref<2x80x32xf32, #tpu.memory_space<vmem>> -> memref<1x80x32xf32, #tpu.memory_space<vmem>>
      %dma_start3A_59 = tpu.memref_squeeze %dma_start3A_58 : memref<1x80x32xf32, #tpu.memory_space<vmem>> -> memref<80x32xf32, #tpu.memory_space<vmem>>
      %dma_start3A_60 = arith.constant 0 : i32
      %dma_start3A_61 = tpu.memref_slice %arg15[%add3A_7, %dma_start3A_60] : memref<5128x32xf32, #tpu.memory_space<vmem_shared>> -> memref<80x32xf32, #tpu.memory_space<vmem_shared>>
      %dma_start3A_62 = arith.constant 0 : i32
      %dma_start3A_63 = tpu.memref_slice %arg15[%add3A_7, %dma_start3A_62] : memref<5128x32xf32, #tpu.memory_space<vmem_shared>> -> memref<80x32xf32, #tpu.memory_space<vmem_shared>>
      %dma_start3A_64 = arith.constant 0 : i32
      %dma_start3A_65 = arith.constant 0 : i32
      %dma_start3A_66 = tpu.memref_slice %arg13[%run_scoped3A_8, %dma_start3A_64, %dma_start3A_65] : memref<2x80x32xf32, #tpu.memory_space<vmem>> -> memref<1x80x32xf32, #tpu.memory_space<vmem>>
      %dma_start3A_67 = tpu.memref_squeeze %dma_start3A_66 : memref<1x80x32xf32, #tpu.memory_space<vmem>> -> memref<80x32xf32, #tpu.memory_space<vmem>>
      tpu.enqueue_dma source(%dma_start3A_67 : memref<80x32xf32, #tpu.memory_space<vmem>>) target(%dma_start3A_63 : memref<80x32xf32, #tpu.memory_space<vmem_shared>>) target_semaphore(%run_scoped3A_56 : memref<!tpu.dma_semaphore, #tpu.memory_space<semaphore_mem>>)
      %dma_wait3A = arith.constant 0 : i32
      %dma_wait3A_68 = arith.constant 0 : i32
      %dma_wait3A_69 = tpu.memref_slice %arg13[%run_scoped3A_8, %dma_wait3A, %dma_wait3A_68] : memref<2x80x32xf32, #tpu.memory_space<vmem>> -> memref<1x80x32xf32, #tpu.memory_space<vmem>>
      %dma_wait3A_70 = tpu.memref_squeeze %dma_wait3A_69 : memref<1x80x32xf32, #tpu.memory_space<vmem>> -> memref<80x32xf32, #tpu.memory_space<vmem>>
      %dma_wait3A_71 = arith.constant 0 : i32
      %dma_wait3A_72 = tpu.memref_slice %arg15[%add3A_7, %dma_wait3A_71] : memref<5128x32xf32, #tpu.memory_space<vmem_shared>> -> memref<80x32xf32, #tpu.memory_space<vmem_shared>>
      %dma_wait3A_73 = arith.constant 0 : i32
      %dma_wait3A_74 = tpu.memref_slice %arg15[%add3A_7, %dma_wait3A_73] : memref<5128x32xf32, #tpu.memory_space<vmem_shared>> -> memref<80x32xf32, #tpu.memory_space<vmem_shared>>
      %dma_wait3A_75 = arith.constant 0 : i32
      %dma_wait3A_76 = arith.constant 0 : i32
      %dma_wait3A_77 = tpu.memref_slice %arg13[%run_scoped3A_8, %dma_wait3A_75, %dma_wait3A_76] : memref<2x80x32xf32, #tpu.memory_space<vmem>> -> memref<1x80x32xf32, #tpu.memory_space<vmem>>
      %dma_wait3A_78 = tpu.memref_squeeze %dma_wait3A_77 : memref<1x80x32xf32, #tpu.memory_space<vmem>> -> memref<80x32xf32, #tpu.memory_space<vmem>>
      tpu.wait_dma2 semaphore(%run_scoped3A_56 : memref<!tpu.dma_semaphore, #tpu.memory_space<semaphore_mem>>) src(%dma_wait3A_78 : memref<80x32xf32, #tpu.memory_space<vmem>>) dst(%dma_wait3A_74 : memref<80x32xf32, #tpu.memory_space<vmem_shared>>)
      tpu.yield
    }) : () -> ()
    %add3A_9 = arith.constant 80 : i32
    %add3A_10 = arith.addi %mul3A_2, %add3A_9 : i32
    %run_scoped3A_11 = arith.constant 0 : i32
    "tpu.region"() ({
      %run_scoped3A_56 = tpu.sem_alloc : memref<!tpu.dma_semaphore, #tpu.memory_space<semaphore_mem>>
      %dma_start3A = arith.constant 0 : i32
      %dma_start3A_57 = arith.constant 0 : i32
      %dma_start3A_58 = tpu.memref_slice %arg12[%run_scoped3A_11, %dma_start3A, %dma_start3A_57] : memref<2x80x128xf32, #tpu.memory_space<vmem>> -> memref<1x80x128xf32, #tpu.memory_space<vmem>>
      %dma_start3A_59 = tpu.memref_squeeze %dma_start3A_58 : memref<1x80x128xf32, #tpu.memory_space<vmem>> -> memref<80x128xf32, #tpu.memory_space<vmem>>
      %dma_start3A_60 = arith.constant 0 : i32
      %dma_start3A_61 = tpu.memref_slice %arg14[%add3A_10, %dma_start3A_60] : memref<5128x128xf32, #tpu.memory_space<vmem_shared>> -> memref<80x128xf32, #tpu.memory_space<vmem_shared>>
      %dma_start3A_62 = arith.constant 0 : i32
      %dma_start3A_63 = tpu.memref_slice %arg14[%add3A_10, %dma_start3A_62] : memref<5128x128xf32, #tpu.memory_space<vmem_shared>> -> memref<80x128xf32, #tpu.memory_space<vmem_shared>>
      %dma_start3A_64 = arith.constant 0 : i32
      %dma_start3A_65 = arith.constant 0 : i32
      %dma_start3A_66 = tpu.memref_slice %arg12[%run_scoped3A_11, %dma_start3A_64, %dma_start3A_65] : memref<2x80x128xf32, #tpu.memory_space<vmem>> -> memref<1x80x128xf32, #tpu.memory_space<vmem>>
      %dma_start3A_67 = tpu.memref_squeeze %dma_start3A_66 : memref<1x80x128xf32, #tpu.memory_space<vmem>> -> memref<80x128xf32, #tpu.memory_space<vmem>>
      tpu.enqueue_dma source(%dma_start3A_67 : memref<80x128xf32, #tpu.memory_space<vmem>>) target(%dma_start3A_63 : memref<80x128xf32, #tpu.memory_space<vmem_shared>>) target_semaphore(%run_scoped3A_56 : memref<!tpu.dma_semaphore, #tpu.memory_space<semaphore_mem>>)
      %dma_wait3A = arith.constant 0 : i32
      %dma_wait3A_68 = arith.constant 0 : i32
      %dma_wait3A_69 = tpu.memref_slice %arg12[%run_scoped3A_11, %dma_wait3A, %dma_wait3A_68] : memref<2x80x128xf32, #tpu.memory_space<vmem>> -> memref<1x80x128xf32, #tpu.memory_space<vmem>>
      %dma_wait3A_70 = tpu.memref_squeeze %dma_wait3A_69 : memref<1x80x128xf32, #tpu.memory_space<vmem>> -> memref<80x128xf32, #tpu.memory_space<vmem>>
      %dma_wait3A_71 = arith.constant 0 : i32
      %dma_wait3A_72 = tpu.memref_slice %arg14[%add3A_10, %dma_wait3A_71] : memref<5128x128xf32, #tpu.memory_space<vmem_shared>> -> memref<80x128xf32, #tpu.memory_space<vmem_shared>>
      %dma_wait3A_73 = arith.constant 0 : i32
      %dma_wait3A_74 = tpu.memref_slice %arg14[%add3A_10, %dma_wait3A_73] : memref<5128x128xf32, #tpu.memory_space<vmem_shared>> -> memref<80x128xf32, #tpu.memory_space<vmem_shared>>
      %dma_wait3A_75 = arith.constant 0 : i32
      %dma_wait3A_76 = arith.constant 0 : i32
      %dma_wait3A_77 = tpu.memref_slice %arg12[%run_scoped3A_11, %dma_wait3A_75, %dma_wait3A_76] : memref<2x80x128xf32, #tpu.memory_space<vmem>> -> memref<1x80x128xf32, #tpu.memory_space<vmem>>
      %dma_wait3A_78 = tpu.memref_squeeze %dma_wait3A_77 : memref<1x80x128xf32, #tpu.memory_space<vmem>> -> memref<80x128xf32, #tpu.memory_space<vmem>>
      tpu.wait_dma2 semaphore(%run_scoped3A_56 : memref<!tpu.dma_semaphore, #tpu.memory_space<semaphore_mem>>) src(%dma_wait3A_78 : memref<80x128xf32, #tpu.memory_space<vmem>>) dst(%dma_wait3A_74 : memref<80x128xf32, #tpu.memory_space<vmem_shared>>)
      tpu.yield
    }) : () -> ()
    %add3A_12 = arith.constant 80 : i32
    %add3A_13 = arith.addi %mul3A_2, %add3A_12 : i32
    %run_scoped3A_14 = arith.constant 0 : i32
    "tpu.region"() ({
      %run_scoped3A_56 = tpu.sem_alloc : memref<!tpu.dma_semaphore, #tpu.memory_space<semaphore_mem>>
      %dma_start3A = arith.constant 0 : i32
      %dma_start3A_57 = arith.constant 0 : i32
      %dma_start3A_58 = tpu.memref_slice %arg13[%run_scoped3A_14, %dma_start3A, %dma_start3A_57] : memref<2x80x32xf32, #tpu.memory_space<vmem>> -> memref<1x80x32xf32, #tpu.memory_space<vmem>>
      %dma_start3A_59 = tpu.memref_squeeze %dma_start3A_58 : memref<1x80x32xf32, #tpu.memory_space<vmem>> -> memref<80x32xf32, #tpu.memory_space<vmem>>
      %dma_start3A_60 = arith.constant 0 : i32
      %dma_start3A_61 = tpu.memref_slice %arg15[%add3A_13, %dma_start3A_60] : memref<5128x32xf32, #tpu.memory_space<vmem_shared>> -> memref<80x32xf32, #tpu.memory_space<vmem_shared>>
      %dma_start3A_62 = arith.constant 0 : i32
      %dma_start3A_63 = tpu.memref_slice %arg15[%add3A_13, %dma_start3A_62] : memref<5128x32xf32, #tpu.memory_space<vmem_shared>> -> memref<80x32xf32, #tpu.memory_space<vmem_shared>>
      %dma_start3A_64 = arith.constant 0 : i32
      %dma_start3A_65 = arith.constant 0 : i32
      %dma_start3A_66 = tpu.memref_slice %arg13[%run_scoped3A_14, %dma_start3A_64, %dma_start3A_65] : memref<2x80x32xf32, #tpu.memory_space<vmem>> -> memref<1x80x32xf32, #tpu.memory_space<vmem>>
      %dma_start3A_67 = tpu.memref_squeeze %dma_start3A_66 : memref<1x80x32xf32, #tpu.memory_space<vmem>> -> memref<80x32xf32, #tpu.memory_space<vmem>>
      tpu.enqueue_dma source(%dma_start3A_67 : memref<80x32xf32, #tpu.memory_space<vmem>>) target(%dma_start3A_63 : memref<80x32xf32, #tpu.memory_space<vmem_shared>>) target_semaphore(%run_scoped3A_56 : memref<!tpu.dma_semaphore, #tpu.memory_space<semaphore_mem>>)
      %dma_wait3A = arith.constant 0 : i32
      %dma_wait3A_68 = arith.constant 0 : i32
      %dma_wait3A_69 = tpu.memref_slice %arg13[%run_scoped3A_14, %dma_wait3A, %dma_wait3A_68] : memref<2x80x32xf32, #tpu.memory_space<vmem>> -> memref<1x80x32xf32, #tpu.memory_space<vmem>>
      %dma_wait3A_70 = tpu.memref_squeeze %dma_wait3A_69 : memref<1x80x32xf32, #tpu.memory_space<vmem>> -> memref<80x32xf32, #tpu.memory_space<vmem>>
      %dma_wait3A_71 = arith.constant 0 : i32
      %dma_wait3A_72 = tpu.memref_slice %arg15[%add3A_13, %dma_wait3A_71] : memref<5128x32xf32, #tpu.memory_space<vmem_shared>> -> memref<80x32xf32, #tpu.memory_space<vmem_shared>>
      %dma_wait3A_73 = arith.constant 0 : i32
      %dma_wait3A_74 = tpu.memref_slice %arg15[%add3A_13, %dma_wait3A_73] : memref<5128x32xf32, #tpu.memory_space<vmem_shared>> -> memref<80x32xf32, #tpu.memory_space<vmem_shared>>
      %dma_wait3A_75 = arith.constant 0 : i32
      %dma_wait3A_76 = arith.constant 0 : i32
      %dma_wait3A_77 = tpu.memref_slice %arg13[%run_scoped3A_14, %dma_wait3A_75, %dma_wait3A_76] : memref<2x80x32xf32, #tpu.memory_space<vmem>> -> memref<1x80x32xf32, #tpu.memory_space<vmem>>
      %dma_wait3A_78 = tpu.memref_squeeze %dma_wait3A_77 : memref<1x80x32xf32, #tpu.memory_space<vmem>> -> memref<80x32xf32, #tpu.memory_space<vmem>>
      tpu.wait_dma2 semaphore(%run_scoped3A_56 : memref<!tpu.dma_semaphore, #tpu.memory_space<semaphore_mem>>) src(%dma_wait3A_78 : memref<80x32xf32, #tpu.memory_space<vmem>>) dst(%dma_wait3A_74 : memref<80x32xf32, #tpu.memory_space<vmem_shared>>)
      tpu.yield
    }) : () -> ()
    %add3A_15 = arith.constant 160 : i32
    %add3A_16 = arith.addi %mul3A_2, %add3A_15 : i32
    %run_scoped3A_17 = arith.constant 0 : i32
    "tpu.region"() ({
      %run_scoped3A_56 = tpu.sem_alloc : memref<!tpu.dma_semaphore, #tpu.memory_space<semaphore_mem>>
      %dma_start3A = arith.constant 0 : i32
      %dma_start3A_57 = arith.constant 0 : i32
      %dma_start3A_58 = tpu.memref_slice %arg12[%run_scoped3A_17, %dma_start3A, %dma_start3A_57] : memref<2x80x128xf32, #tpu.memory_space<vmem>> -> memref<1x80x128xf32, #tpu.memory_space<vmem>>
      %dma_start3A_59 = tpu.memref_squeeze %dma_start3A_58 : memref<1x80x128xf32, #tpu.memory_space<vmem>> -> memref<80x128xf32, #tpu.memory_space<vmem>>
      %dma_start3A_60 = arith.constant 0 : i32
      %dma_start3A_61 = tpu.memref_slice %arg14[%add3A_16, %dma_start3A_60] : memref<5128x128xf32, #tpu.memory_space<vmem_shared>> -> memref<80x128xf32, #tpu.memory_space<vmem_shared>>
      %dma_start3A_62 = arith.constant 0 : i32
      %dma_start3A_63 = tpu.memref_slice %arg14[%add3A_16, %dma_start3A_62] : memref<5128x128xf32, #tpu.memory_space<vmem_shared>> -> memref<80x128xf32, #tpu.memory_space<vmem_shared>>
      %dma_start3A_64 = arith.constant 0 : i32
      %dma_start3A_65 = arith.constant 0 : i32
      %dma_start3A_66 = tpu.memref_slice %arg12[%run_scoped3A_17, %dma_start3A_64, %dma_start3A_65] : memref<2x80x128xf32, #tpu.memory_space<vmem>> -> memref<1x80x128xf32, #tpu.memory_space<vmem>>
      %dma_start3A_67 = tpu.memref_squeeze %dma_start3A_66 : memref<1x80x128xf32, #tpu.memory_space<vmem>> -> memref<80x128xf32, #tpu.memory_space<vmem>>
      tpu.enqueue_dma source(%dma_start3A_67 : memref<80x128xf32, #tpu.memory_space<vmem>>) target(%dma_start3A_63 : memref<80x128xf32, #tpu.memory_space<vmem_shared>>) target_semaphore(%run_scoped3A_56 : memref<!tpu.dma_semaphore, #tpu.memory_space<semaphore_mem>>)
      %dma_wait3A = arith.constant 0 : i32
      %dma_wait3A_68 = arith.constant 0 : i32
      %dma_wait3A_69 = tpu.memref_slice %arg12[%run_scoped3A_17, %dma_wait3A, %dma_wait3A_68] : memref<2x80x128xf32, #tpu.memory_space<vmem>> -> memref<1x80x128xf32, #tpu.memory_space<vmem>>
      %dma_wait3A_70 = tpu.memref_squeeze %dma_wait3A_69 : memref<1x80x128xf32, #tpu.memory_space<vmem>> -> memref<80x128xf32, #tpu.memory_space<vmem>>
      %dma_wait3A_71 = arith.constant 0 : i32
      %dma_wait3A_72 = tpu.memref_slice %arg14[%add3A_16, %dma_wait3A_71] : memref<5128x128xf32, #tpu.memory_space<vmem_shared>> -> memref<80x128xf32, #tpu.memory_space<vmem_shared>>
      %dma_wait3A_73 = arith.constant 0 : i32
      %dma_wait3A_74 = tpu.memref_slice %arg14[%add3A_16, %dma_wait3A_73] : memref<5128x128xf32, #tpu.memory_space<vmem_shared>> -> memref<80x128xf32, #tpu.memory_space<vmem_shared>>
      %dma_wait3A_75 = arith.constant 0 : i32
      %dma_wait3A_76 = arith.constant 0 : i32
      %dma_wait3A_77 = tpu.memref_slice %arg12[%run_scoped3A_17, %dma_wait3A_75, %dma_wait3A_76] : memref<2x80x128xf32, #tpu.memory_space<vmem>> -> memref<1x80x128xf32, #tpu.memory_space<vmem>>
      %dma_wait3A_78 = tpu.memref_squeeze %dma_wait3A_77 : memref<1x80x128xf32, #tpu.memory_space<vmem>> -> memref<80x128xf32, #tpu.memory_space<vmem>>
      tpu.wait_dma2 semaphore(%run_scoped3A_56 : memref<!tpu.dma_semaphore, #tpu.memory_space<semaphore_mem>>) src(%dma_wait3A_78 : memref<80x128xf32, #tpu.memory_space<vmem>>) dst(%dma_wait3A_74 : memref<80x128xf32, #tpu.memory_space<vmem_shared>>)
      tpu.yield
    }) : () -> ()
    %add3A_18 = arith.constant 160 : i32
    %add3A_19 = arith.addi %mul3A_2, %add3A_18 : i32
    %run_scoped3A_20 = arith.constant 0 : i32
    "tpu.region"() ({
      %run_scoped3A_56 = tpu.sem_alloc : memref<!tpu.dma_semaphore, #tpu.memory_space<semaphore_mem>>
      %dma_start3A = arith.constant 0 : i32
      %dma_start3A_57 = arith.constant 0 : i32
      %dma_start3A_58 = tpu.memref_slice %arg13[%run_scoped3A_20, %dma_start3A, %dma_start3A_57] : memref<2x80x32xf32, #tpu.memory_space<vmem>> -> memref<1x80x32xf32, #tpu.memory_space<vmem>>
      %dma_start3A_59 = tpu.memref_squeeze %dma_start3A_58 : memref<1x80x32xf32, #tpu.memory_space<vmem>> -> memref<80x32xf32, #tpu.memory_space<vmem>>
      %dma_start3A_60 = arith.constant 0 : i32
      %dma_start3A_61 = tpu.memref_slice %arg15[%add3A_19, %dma_start3A_60] : memref<5128x32xf32, #tpu.memory_space<vmem_shared>> -> memref<80x32xf32, #tpu.memory_space<vmem_shared>>
      %dma_start3A_62 = arith.constant 0 : i32
      %dma_start3A_63 = tpu.memref_slice %arg15[%add3A_19, %dma_start3A_62] : memref<5128x32xf32, #tpu.memory_space<vmem_shared>> -> memref<80x32xf32, #tpu.memory_space<vmem_shared>>
      %dma_start3A_64 = arith.constant 0 : i32
      %dma_start3A_65 = arith.constant 0 : i32
      %dma_start3A_66 = tpu.memref_slice %arg13[%run_scoped3A_20, %dma_start3A_64, %dma_start3A_65] : memref<2x80x32xf32, #tpu.memory_space<vmem>> -> memref<1x80x32xf32, #tpu.memory_space<vmem>>
      %dma_start3A_67 = tpu.memref_squeeze %dma_start3A_66 : memref<1x80x32xf32, #tpu.memory_space<vmem>> -> memref<80x32xf32, #tpu.memory_space<vmem>>
      tpu.enqueue_dma source(%dma_start3A_67 : memref<80x32xf32, #tpu.memory_space<vmem>>) target(%dma_start3A_63 : memref<80x32xf32, #tpu.memory_space<vmem_shared>>) target_semaphore(%run_scoped3A_56 : memref<!tpu.dma_semaphore, #tpu.memory_space<semaphore_mem>>)
      %dma_wait3A = arith.constant 0 : i32
      %dma_wait3A_68 = arith.constant 0 : i32
      %dma_wait3A_69 = tpu.memref_slice %arg13[%run_scoped3A_20, %dma_wait3A, %dma_wait3A_68] : memref<2x80x32xf32, #tpu.memory_space<vmem>> -> memref<1x80x32xf32, #tpu.memory_space<vmem>>
      %dma_wait3A_70 = tpu.memref_squeeze %dma_wait3A_69 : memref<1x80x32xf32, #tpu.memory_space<vmem>> -> memref<80x32xf32, #tpu.memory_space<vmem>>
      %dma_wait3A_71 = arith.constant 0 : i32
      %dma_wait3A_72 = tpu.memref_slice %arg15[%add3A_19, %dma_wait3A_71] : memref<5128x32xf32, #tpu.memory_space<vmem_shared>> -> memref<80x32xf32, #tpu.memory_space<vmem_shared>>
      %dma_wait3A_73 = arith.constant 0 : i32
      %dma_wait3A_74 = tpu.memref_slice %arg15[%add3A_19, %dma_wait3A_73] : memref<5128x32xf32, #tpu.memory_space<vmem_shared>> -> memref<80x32xf32, #tpu.memory_space<vmem_shared>>
      %dma_wait3A_75 = arith.constant 0 : i32
      %dma_wait3A_76 = arith.constant 0 : i32
      %dma_wait3A_77 = tpu.memref_slice %arg13[%run_scoped3A_20, %dma_wait3A_75, %dma_wait3A_76] : memref<2x80x32xf32, #tpu.memory_space<vmem>> -> memref<1x80x32xf32, #tpu.memory_space<vmem>>
      %dma_wait3A_78 = tpu.memref_squeeze %dma_wait3A_77 : memref<1x80x32xf32, #tpu.memory_space<vmem>> -> memref<80x32xf32, #tpu.memory_space<vmem>>
      tpu.wait_dma2 semaphore(%run_scoped3A_56 : memref<!tpu.dma_semaphore, #tpu.memory_space<semaphore_mem>>) src(%dma_wait3A_78 : memref<80x32xf32, #tpu.memory_space<vmem>>) dst(%dma_wait3A_74 : memref<80x32xf32, #tpu.memory_space<vmem_shared>>)
      tpu.yield
    }) : () -> ()
    %add3A_21 = arith.constant 240 : i32
    %add3A_22 = arith.addi %mul3A_2, %add3A_21 : i32
    %run_scoped3A_23 = arith.constant 0 : i32
    "tpu.region"() ({
      %run_scoped3A_56 = tpu.sem_alloc : memref<!tpu.dma_semaphore, #tpu.memory_space<semaphore_mem>>
      %dma_start3A = arith.constant 0 : i32
      %dma_start3A_57 = arith.constant 0 : i32
      %dma_start3A_58 = tpu.memref_slice %arg12[%run_scoped3A_23, %dma_start3A, %dma_start3A_57] : memref<2x80x128xf32, #tpu.memory_space<vmem>> -> memref<1x80x128xf32, #tpu.memory_space<vmem>>
      %dma_start3A_59 = tpu.memref_squeeze %dma_start3A_58 : memref<1x80x128xf32, #tpu.memory_space<vmem>> -> memref<80x128xf32, #tpu.memory_space<vmem>>
      %dma_start3A_60 = arith.constant 0 : i32
      %dma_start3A_61 = tpu.memref_slice %arg14[%add3A_22, %dma_start3A_60] : memref<5128x128xf32, #tpu.memory_space<vmem_shared>> -> memref<80x128xf32, #tpu.memory_space<vmem_shared>>
      %dma_start3A_62 = arith.constant 0 : i32
      %dma_start3A_63 = tpu.memref_slice %arg14[%add3A_22, %dma_start3A_62] : memref<5128x128xf32, #tpu.memory_space<vmem_shared>> -> memref<80x128xf32, #tpu.memory_space<vmem_shared>>
      %dma_start3A_64 = arith.constant 0 : i32
      %dma_start3A_65 = arith.constant 0 : i32
      %dma_start3A_66 = tpu.memref_slice %arg12[%run_scoped3A_23, %dma_start3A_64, %dma_start3A_65] : memref<2x80x128xf32, #tpu.memory_space<vmem>> -> memref<1x80x128xf32, #tpu.memory_space<vmem>>
      %dma_start3A_67 = tpu.memref_squeeze %dma_start3A_66 : memref<1x80x128xf32, #tpu.memory_space<vmem>> -> memref<80x128xf32, #tpu.memory_space<vmem>>
      tpu.enqueue_dma source(%dma_start3A_67 : memref<80x128xf32, #tpu.memory_space<vmem>>) target(%dma_start3A_63 : memref<80x128xf32, #tpu.memory_space<vmem_shared>>) target_semaphore(%run_scoped3A_56 : memref<!tpu.dma_semaphore, #tpu.memory_space<semaphore_mem>>)
      %dma_wait3A = arith.constant 0 : i32
      %dma_wait3A_68 = arith.constant 0 : i32
      %dma_wait3A_69 = tpu.memref_slice %arg12[%run_scoped3A_23, %dma_wait3A, %dma_wait3A_68] : memref<2x80x128xf32, #tpu.memory_space<vmem>> -> memref<1x80x128xf32, #tpu.memory_space<vmem>>
      %dma_wait3A_70 = tpu.memref_squeeze %dma_wait3A_69 : memref<1x80x128xf32, #tpu.memory_space<vmem>> -> memref<80x128xf32, #tpu.memory_space<vmem>>
      %dma_wait3A_71 = arith.constant 0 : i32
      %dma_wait3A_72 = tpu.memref_slice %arg14[%add3A_22, %dma_wait3A_71] : memref<5128x128xf32, #tpu.memory_space<vmem_shared>> -> memref<80x128xf32, #tpu.memory_space<vmem_shared>>
      %dma_wait3A_73 = arith.constant 0 : i32
      %dma_wait3A_74 = tpu.memref_slice %arg14[%add3A_22, %dma_wait3A_73] : memref<5128x128xf32, #tpu.memory_space<vmem_shared>> -> memref<80x128xf32, #tpu.memory_space<vmem_shared>>
      %dma_wait3A_75 = arith.constant 0 : i32
      %dma_wait3A_76 = arith.constant 0 : i32
      %dma_wait3A_77 = tpu.memref_slice %arg12[%run_scoped3A_23, %dma_wait3A_75, %dma_wait3A_76] : memref<2x80x128xf32, #tpu.memory_space<vmem>> -> memref<1x80x128xf32, #tpu.memory_space<vmem>>
      %dma_wait3A_78 = tpu.memref_squeeze %dma_wait3A_77 : memref<1x80x128xf32, #tpu.memory_space<vmem>> -> memref<80x128xf32, #tpu.memory_space<vmem>>
      tpu.wait_dma2 semaphore(%run_scoped3A_56 : memref<!tpu.dma_semaphore, #tpu.memory_space<semaphore_mem>>) src(%dma_wait3A_78 : memref<80x128xf32, #tpu.memory_space<vmem>>) dst(%dma_wait3A_74 : memref<80x128xf32, #tpu.memory_space<vmem_shared>>)
      tpu.yield
    }) : () -> ()
    %add3A_24 = arith.constant 240 : i32
    %add3A_25 = arith.addi %mul3A_2, %add3A_24 : i32
    %run_scoped3A_26 = arith.constant 0 : i32
    "tpu.region"() ({
      %run_scoped3A_56 = tpu.sem_alloc : memref<!tpu.dma_semaphore, #tpu.memory_space<semaphore_mem>>
      %dma_start3A = arith.constant 0 : i32
      %dma_start3A_57 = arith.constant 0 : i32
      %dma_start3A_58 = tpu.memref_slice %arg13[%run_scoped3A_26, %dma_start3A, %dma_start3A_57] : memref<2x80x32xf32, #tpu.memory_space<vmem>> -> memref<1x80x32xf32, #tpu.memory_space<vmem>>
      %dma_start3A_59 = tpu.memref_squeeze %dma_start3A_58 : memref<1x80x32xf32, #tpu.memory_space<vmem>> -> memref<80x32xf32, #tpu.memory_space<vmem>>
      %dma_start3A_60 = arith.constant 0 : i32
      %dma_start3A_61 = tpu.memref_slice %arg15[%add3A_25, %dma_start3A_60] : memref<5128x32xf32, #tpu.memory_space<vmem_shared>> -> memref<80x32xf32, #tpu.memory_space<vmem_shared>>
      %dma_start3A_62 = arith.constant 0 : i32
      %dma_start3A_63 = tpu.memref_slice %arg15[%add3A_25, %dma_start3A_62] : memref<5128x32xf32, #tpu.memory_space<vmem_shared>> -> memref<80x32xf32, #tpu.memory_space<vmem_shared>>
      %dma_start3A_64 = arith.constant 0 : i32
      %dma_start3A_65 = arith.constant 0 : i32
      %dma_start3A_66 = tpu.memref_slice %arg13[%run_scoped3A_26, %dma_start3A_64, %dma_start3A_65] : memref<2x80x32xf32, #tpu.memory_space<vmem>> -> memref<1x80x32xf32, #tpu.memory_space<vmem>>
      %dma_start3A_67 = tpu.memref_squeeze %dma_start3A_66 : memref<1x80x32xf32, #tpu.memory_space<vmem>> -> memref<80x32xf32, #tpu.memory_space<vmem>>
      tpu.enqueue_dma source(%dma_start3A_67 : memref<80x32xf32, #tpu.memory_space<vmem>>) target(%dma_start3A_63 : memref<80x32xf32, #tpu.memory_space<vmem_shared>>) target_semaphore(%run_scoped3A_56 : memref<!tpu.dma_semaphore, #tpu.memory_space<semaphore_mem>>)
      %dma_wait3A = arith.constant 0 : i32
      %dma_wait3A_68 = arith.constant 0 : i32
      %dma_wait3A_69 = tpu.memref_slice %arg13[%run_scoped3A_26, %dma_wait3A, %dma_wait3A_68] : memref<2x80x32xf32, #tpu.memory_space<vmem>> -> memref<1x80x32xf32, #tpu.memory_space<vmem>>
      %dma_wait3A_70 = tpu.memref_squeeze %dma_wait3A_69 : memref<1x80x32xf32, #tpu.memory_space<vmem>> -> memref<80x32xf32, #tpu.memory_space<vmem>>
      %dma_wait3A_71 = arith.constant 0 : i32
      %dma_wait3A_72 = tpu.memref_slice %arg15[%add3A_25, %dma_wait3A_71] : memref<5128x32xf32, #tpu.memory_space<vmem_shared>> -> memref<80x32xf32, #tpu.memory_space<vmem_shared>>
      %dma_wait3A_73 = arith.constant 0 : i32
      %dma_wait3A_74 = tpu.memref_slice %arg15[%add3A_25, %dma_wait3A_73] : memref<5128x32xf32, #tpu.memory_space<vmem_shared>> -> memref<80x32xf32, #tpu.memory_space<vmem_shared>>
      %dma_wait3A_75 = arith.constant 0 : i32
      %dma_wait3A_76 = arith.constant 0 : i32
      %dma_wait3A_77 = tpu.memref_slice %arg13[%run_scoped3A_26, %dma_wait3A_75, %dma_wait3A_76] : memref<2x80x32xf32, #tpu.memory_space<vmem>> -> memref<1x80x32xf32, #tpu.memory_space<vmem>>
      %dma_wait3A_78 = tpu.memref_squeeze %dma_wait3A_77 : memref<1x80x32xf32, #tpu.memory_space<vmem>> -> memref<80x32xf32, #tpu.memory_space<vmem>>
      tpu.wait_dma2 semaphore(%run_scoped3A_56 : memref<!tpu.dma_semaphore, #tpu.memory_space<semaphore_mem>>) src(%dma_wait3A_78 : memref<80x32xf32, #tpu.memory_space<vmem>>) dst(%dma_wait3A_74 : memref<80x32xf32, #tpu.memory_space<vmem_shared>>)
      tpu.yield
    }) : () -> ()
    %barrier3A = arith.constant 0 : index
    tpu.barrier barrier_id(%barrier3A)
    %mul3A_27 = arith.constant 20000 : i32
    %mul3A_28 = arith.muli %arg1, %mul3A_27 : i32
    %parallel_loop3A = arith.constant 0 : i32
    %parallel_loop3A_29 = arith.constant 250 : i32
    %parallel_loop3A_30 = arith.constant 1 : i32
    scf.for %parallel_loop3A_56 = %parallel_loop3A to %parallel_loop3A_29 step %parallel_loop3A_30  : i32 {
      %parallel_loop3A_57 = arith.constant 2 : i32
      %parallel_loop3A_58 = arith.remsi %parallel_loop3A_56, %parallel_loop3A_57 : i32
      %parallel_loop3A_59 = arith.constant 80 : i32
      %parallel_loop3A_60 = arith.muli %parallel_loop3A_56, %parallel_loop3A_59 : i32
      %parallel_loop3A_61 = arith.addi %mul3A_28, %parallel_loop3A_60 : i32
      "tpu.region"() ({
        %parallel_loop3A_65 = tpu.sem_alloc : memref<!tpu.dma_semaphore, #tpu.memory_space<semaphore_mem>>
        %parallel_loop3A_66 = arith.constant 0 : i32
        %parallel_loop3A_67 = tpu.memref_slice %arg10[%parallel_loop3A_58, %parallel_loop3A_66] : memref<2x80xi32, #tpu.memory_space<vmem>> -> memref<1x80xi32, #tpu.memory_space<vmem>>
        %parallel_loop3A_68 = tpu.memref_squeeze %parallel_loop3A_67 : memref<1x80xi32, #tpu.memory_space<vmem>> -> memref<80xi32, #tpu.memory_space<vmem>>
        %parallel_loop3A_69 = tpu.memref_slice %arg3[%parallel_loop3A_61] : memref<320000xi32, #tpu.memory_space<hbm>> -> memref<80xi32, #tpu.memory_space<hbm>>
        %parallel_loop3A_70 = arith.constant 0 : i32
        %parallel_loop3A_71 = tpu.memref_slice %arg10[%parallel_loop3A_58, %parallel_loop3A_70] : memref<2x80xi32, #tpu.memory_space<vmem>> -> memref<1x80xi32, #tpu.memory_space<vmem>>
        %parallel_loop3A_72 = tpu.memref_squeeze %parallel_loop3A_71 : memref<1x80xi32, #tpu.memory_space<vmem>> -> memref<80xi32, #tpu.memory_space<vmem>>
        %parallel_loop3A_73 = tpu.memref_slice %arg3[%parallel_loop3A_61] : memref<320000xi32, #tpu.memory_space<hbm>> -> memref<80xi32, #tpu.memory_space<hbm>>
        tpu.enqueue_dma source(%parallel_loop3A_73 : memref<80xi32, #tpu.memory_space<hbm>>) target(%parallel_loop3A_72 : memref<80xi32, #tpu.memory_space<vmem>>) target_semaphore(%parallel_loop3A_65 : memref<!tpu.dma_semaphore, #tpu.memory_space<semaphore_mem>>)
        %parallel_loop3A_74 = arith.constant 0 : i32
        %parallel_loop3A_75 = tpu.memref_slice %arg10[%parallel_loop3A_58, %parallel_loop3A_74] : memref<2x80xi32, #tpu.memory_space<vmem>> -> memref<1x80xi32, #tpu.memory_space<vmem>>
        %parallel_loop3A_76 = tpu.memref_squeeze %parallel_loop3A_75 : memref<1x80xi32, #tpu.memory_space<vmem>> -> memref<80xi32, #tpu.memory_space<vmem>>
        %parallel_loop3A_77 = tpu.memref_slice %arg3[%parallel_loop3A_61] : memref<320000xi32, #tpu.memory_space<hbm>> -> memref<80xi32, #tpu.memory_space<hbm>>
        %parallel_loop3A_78 = arith.constant 0 : i32
        %parallel_loop3A_79 = tpu.memref_slice %arg10[%parallel_loop3A_58, %parallel_loop3A_78] : memref<2x80xi32, #tpu.memory_space<vmem>> -> memref<1x80xi32, #tpu.memory_space<vmem>>
        %parallel_loop3A_80 = tpu.memref_squeeze %parallel_loop3A_79 : memref<1x80xi32, #tpu.memory_space<vmem>> -> memref<80xi32, #tpu.memory_space<vmem>>
        %parallel_loop3A_81 = tpu.memref_slice %arg3[%parallel_loop3A_61] : memref<320000xi32, #tpu.memory_space<hbm>> -> memref<80xi32, #tpu.memory_space<hbm>>
        tpu.wait_dma2 semaphore(%parallel_loop3A_65 : memref<!tpu.dma_semaphore, #tpu.memory_space<semaphore_mem>>) src(%parallel_loop3A_81 : memref<80xi32, #tpu.memory_space<hbm>>) dst(%parallel_loop3A_80 : memref<80xi32, #tpu.memory_space<vmem>>)
        tpu.yield
      }) : () -> ()
      %parallel_loop3A_62 = arith.constant 320000 : i32
      %parallel_loop3A_63 = arith.muli %arg0, %parallel_loop3A_62 : i32
      %parallel_loop3A_64 = arith.addi %parallel_loop3A_63, %parallel_loop3A_61 : i32
      "tpu.region"() ({
        %parallel_loop3A_65 = tpu.sem_alloc : memref<!tpu.dma_semaphore, #tpu.memory_space<semaphore_mem>>
        %parallel_loop3A_66 = arith.constant 0 : i32
        %parallel_loop3A_67 = tpu.memref_slice %arg11[%parallel_loop3A_58, %parallel_loop3A_66] : memref<2x80xi32, #tpu.memory_space<vmem>> -> memref<1x80xi32, #tpu.memory_space<vmem>>
        %parallel_loop3A_68 = tpu.memref_squeeze %parallel_loop3A_67 : memref<1x80xi32, #tpu.memory_space<vmem>> -> memref<80xi32, #tpu.memory_space<vmem>>
        %parallel_loop3A_69 = tpu.memref_slice %arg4[%parallel_loop3A_64] : memref<640000xi32, #tpu.memory_space<hbm>> -> memref<80xi32, #tpu.memory_space<hbm>>
        %parallel_loop3A_70 = arith.constant 0 : i32
        %parallel_loop3A_71 = tpu.memref_slice %arg11[%parallel_loop3A_58, %parallel_loop3A_70] : memref<2x80xi32, #tpu.memory_space<vmem>> -> memref<1x80xi32, #tpu.memory_space<vmem>>
        %parallel_loop3A_72 = tpu.memref_squeeze %parallel_loop3A_71 : memref<1x80xi32, #tpu.memory_space<vmem>> -> memref<80xi32, #tpu.memory_space<vmem>>
        %parallel_loop3A_73 = tpu.memref_slice %arg4[%parallel_loop3A_64] : memref<640000xi32, #tpu.memory_space<hbm>> -> memref<80xi32, #tpu.memory_space<hbm>>
        tpu.enqueue_dma source(%parallel_loop3A_73 : memref<80xi32, #tpu.memory_space<hbm>>) target(%parallel_loop3A_72 : memref<80xi32, #tpu.memory_space<vmem>>) target_semaphore(%parallel_loop3A_65 : memref<!tpu.dma_semaphore, #tpu.memory_space<semaphore_mem>>)
        %parallel_loop3A_74 = arith.constant 0 : i32
        %parallel_loop3A_75 = tpu.memref_slice %arg11[%parallel_loop3A_58, %parallel_loop3A_74] : memref<2x80xi32, #tpu.memory_space<vmem>> -> memref<1x80xi32, #tpu.memory_space<vmem>>
        %parallel_loop3A_76 = tpu.memref_squeeze %parallel_loop3A_75 : memref<1x80xi32, #tpu.memory_space<vmem>> -> memref<80xi32, #tpu.memory_space<vmem>>
        %parallel_loop3A_77 = tpu.memref_slice %arg4[%parallel_loop3A_64] : memref<640000xi32, #tpu.memory_space<hbm>> -> memref<80xi32, #tpu.memory_space<hbm>>
        %parallel_loop3A_78 = arith.constant 0 : i32
        %parallel_loop3A_79 = tpu.memref_slice %arg11[%parallel_loop3A_58, %parallel_loop3A_78] : memref<2x80xi32, #tpu.memory_space<vmem>> -> memref<1x80xi32, #tpu.memory_space<vmem>>
        %parallel_loop3A_80 = tpu.memref_squeeze %parallel_loop3A_79 : memref<1x80xi32, #tpu.memory_space<vmem>> -> memref<80xi32, #tpu.memory_space<vmem>>
        %parallel_loop3A_81 = tpu.memref_slice %arg4[%parallel_loop3A_64] : memref<640000xi32, #tpu.memory_space<hbm>> -> memref<80xi32, #tpu.memory_space<hbm>>
        tpu.wait_dma2 semaphore(%parallel_loop3A_65 : memref<!tpu.dma_semaphore, #tpu.memory_space<semaphore_mem>>) src(%parallel_loop3A_81 : memref<80xi32, #tpu.memory_space<hbm>>) dst(%parallel_loop3A_80 : memref<80xi32, #tpu.memory_space<vmem>>)
        tpu.yield
      }) : () -> ()
      "tpu.region"() ({
        %parallel_loop3A_65 = tpu.sem_alloc : memref<!tpu.dma_semaphore, #tpu.memory_space<semaphore_mem>>
        %parallel_loop3A_66 = arith.constant 0 : i32
        %parallel_loop3A_67 = arith.constant 0 : i32
        %parallel_loop3A_68 = tpu.memref_slice %arg12[%parallel_loop3A_58, %parallel_loop3A_66, %parallel_loop3A_67] : memref<2x80x128xf32, #tpu.memory_space<vmem>> -> memref<1x80x128xf32, #tpu.memory_space<vmem>>
        %parallel_loop3A_69 = tpu.memref_squeeze %parallel_loop3A_68 : memref<1x80x128xf32, #tpu.memory_space<vmem>> -> memref<80x128xf32, #tpu.memory_space<vmem>>
        %parallel_loop3A_70 = arith.constant 0 : i32
        %parallel_loop3A_71 = tpu.memref_slice %arg10[%parallel_loop3A_58, %parallel_loop3A_70] : memref<2x80xi32, #tpu.memory_space<vmem>> -> memref<1x80xi32, #tpu.memory_space<vmem>>
        %parallel_loop3A_72 = tpu.memref_squeeze %parallel_loop3A_71 : memref<1x80xi32, #tpu.memory_space<vmem>> -> memref<80xi32, #tpu.memory_space<vmem>>
        %parallel_loop3A_73 = arith.constant 0 : i32
        %parallel_loop3A_74 = arith.constant 0 : i32
        %parallel_loop3A_75 = tpu.memref_slice %arg2[%parallel_loop3A_73, %parallel_loop3A_74] : memref<10000x128xf32, #tpu.memory_space<hbm>> -> memref<10000x128xf32, #tpu.memory_space<hbm>>
        tpu.enqueue_indirect_dma source(%parallel_loop3A_75 : memref<10000x128xf32, #tpu.memory_space<hbm>>) target(%parallel_loop3A_69 : memref<80x128xf32, #tpu.memory_space<vmem>>) offsets(%parallel_loop3A_72 : memref<80xi32, #tpu.memory_space<vmem>>) semaphore(%parallel_loop3A_65 : memref<!tpu.dma_semaphore, #tpu.memory_space<semaphore_mem>>)
        %parallel_loop3A_76 = arith.constant 0 : i32
        %parallel_loop3A_77 = arith.constant 0 : i32
        %parallel_loop3A_78 = tpu.memref_slice %arg12[%parallel_loop3A_58, %parallel_loop3A_76, %parallel_loop3A_77] : memref<2x80x128xf32, #tpu.memory_space<vmem>> -> memref<1x80x128xf32, #tpu.memory_space<vmem>>
        %parallel_loop3A_79 = tpu.memref_squeeze %parallel_loop3A_78 : memref<1x80x128xf32, #tpu.memory_space<vmem>> -> memref<80x128xf32, #tpu.memory_space<vmem>>
        %parallel_loop3A_80 = arith.constant 0 : i32
        %parallel_loop3A_81 = tpu.memref_slice %arg10[%parallel_loop3A_58, %parallel_loop3A_80] : memref<2x80xi32, #tpu.memory_space<vmem>> -> memref<1x80xi32, #tpu.memory_space<vmem>>
        %parallel_loop3A_82 = tpu.memref_squeeze %parallel_loop3A_81 : memref<1x80xi32, #tpu.memory_space<vmem>> -> memref<80xi32, #tpu.memory_space<vmem>>
        %parallel_loop3A_83 = arith.constant 0 : i32
        %parallel_loop3A_84 = arith.constant 0 : i32
        %parallel_loop3A_85 = tpu.memref_slice %arg2[%parallel_loop3A_83, %parallel_loop3A_84] : memref<10000x128xf32, #tpu.memory_space<hbm>> -> memref<10000x128xf32, #tpu.memory_space<hbm>>
        tpu.wait_indirect_dma semaphore(%parallel_loop3A_65 : memref<!tpu.dma_semaphore, #tpu.memory_space<semaphore_mem>>) src(%parallel_loop3A_85 : memref<10000x128xf32, #tpu.memory_space<hbm>>) dst(%parallel_loop3A_79 : memref<80x128xf32, #tpu.memory_space<vmem>>)
        tpu.yield
      }) : () -> ()
      "tpu.region"() ({
        %parallel_loop3A_65 = tpu.sem_alloc : memref<!tpu.dma_semaphore, #tpu.memory_space<semaphore_mem>>
        %parallel_loop3A_66 = arith.constant 0 : i32
        %parallel_loop3A_67 = arith.constant 0 : i32
        %parallel_loop3A_68 = tpu.memref_slice %arg13[%parallel_loop3A_58, %parallel_loop3A_66, %parallel_loop3A_67] : memref<2x80x32xf32, #tpu.memory_space<vmem>> -> memref<1x80x32xf32, #tpu.memory_space<vmem>>
        %parallel_loop3A_69 = tpu.memref_squeeze %parallel_loop3A_68 : memref<1x80x32xf32, #tpu.memory_space<vmem>> -> memref<80x32xf32, #tpu.memory_space<vmem>>
        %parallel_loop3A_70 = arith.constant 0 : i32
        %parallel_loop3A_71 = tpu.memref_slice %arg5[%parallel_loop3A_61, %parallel_loop3A_70] : memref<320000x32xf32, #tpu.memory_space<hbm>> -> memref<80x32xf32, #tpu.memory_space<hbm>>
        %parallel_loop3A_72 = arith.constant 0 : i32
        %parallel_loop3A_73 = arith.constant 0 : i32
        %parallel_loop3A_74 = tpu.memref_slice %arg13[%parallel_loop3A_58, %parallel_loop3A_72, %parallel_loop3A_73] : memref<2x80x32xf32, #tpu.memory_space<vmem>> -> memref<1x80x32xf32, #tpu.memory_space<vmem>>
        %parallel_loop3A_75 = tpu.memref_squeeze %parallel_loop3A_74 : memref<1x80x32xf32, #tpu.memory_space<vmem>> -> memref<80x32xf32, #tpu.memory_space<vmem>>
        %parallel_loop3A_76 = arith.constant 0 : i32
        %parallel_loop3A_77 = tpu.memref_slice %arg5[%parallel_loop3A_61, %parallel_loop3A_76] : memref<320000x32xf32, #tpu.memory_space<hbm>> -> memref<80x32xf32, #tpu.memory_space<hbm>>
        tpu.enqueue_dma source(%parallel_loop3A_77 : memref<80x32xf32, #tpu.memory_space<hbm>>) target(%parallel_loop3A_75 : memref<80x32xf32, #tpu.memory_space<vmem>>) target_semaphore(%parallel_loop3A_65 : memref<!tpu.dma_semaphore, #tpu.memory_space<semaphore_mem>>)
        %parallel_loop3A_78 = arith.constant 0 : i32
        %parallel_loop3A_79 = arith.constant 0 : i32
        %parallel_loop3A_80 = tpu.memref_slice %arg13[%parallel_loop3A_58, %parallel_loop3A_78, %parallel_loop3A_79] : memref<2x80x32xf32, #tpu.memory_space<vmem>> -> memref<1x80x32xf32, #tpu.memory_space<vmem>>
        %parallel_loop3A_81 = tpu.memref_squeeze %parallel_loop3A_80 : memref<1x80x32xf32, #tpu.memory_space<vmem>> -> memref<80x32xf32, #tpu.memory_space<vmem>>
        %parallel_loop3A_82 = arith.constant 0 : i32
        %parallel_loop3A_83 = tpu.memref_slice %arg5[%parallel_loop3A_61, %parallel_loop3A_82] : memref<320000x32xf32, #tpu.memory_space<hbm>> -> memref<80x32xf32, #tpu.memory_space<hbm>>
        %parallel_loop3A_84 = arith.constant 0 : i32
        %parallel_loop3A_85 = arith.constant 0 : i32
        %parallel_loop3A_86 = tpu.memref_slice %arg13[%parallel_loop3A_58, %parallel_loop3A_84, %parallel_loop3A_85] : memref<2x80x32xf32, #tpu.memory_space<vmem>> -> memref<1x80x32xf32, #tpu.memory_space<vmem>>
        %parallel_loop3A_87 = tpu.memref_squeeze %parallel_loop3A_86 : memref<1x80x32xf32, #tpu.memory_space<vmem>> -> memref<80x32xf32, #tpu.memory_space<vmem>>
        %parallel_loop3A_88 = arith.constant 0 : i32
        %parallel_loop3A_89 = tpu.memref_slice %arg5[%parallel_loop3A_61, %parallel_loop3A_88] : memref<320000x32xf32, #tpu.memory_space<hbm>> -> memref<80x32xf32, #tpu.memory_space<hbm>>
        tpu.wait_dma2 semaphore(%parallel_loop3A_65 : memref<!tpu.dma_semaphore, #tpu.memory_space<semaphore_mem>>) src(%parallel_loop3A_89 : memref<80x32xf32, #tpu.memory_space<hbm>>) dst(%parallel_loop3A_87 : memref<80x32xf32, #tpu.memory_space<vmem>>)
        tpu.yield
      }) : () -> ()
      "tpu.region"() ({
        %parallel_loop3A_65 = tpu.sem_alloc : memref<!tpu.dma_semaphore, #tpu.memory_space<semaphore_mem>>
        %parallel_loop3A_66 = arith.constant 0 : i32
        %parallel_loop3A_67 = arith.constant 0 : i32
        %parallel_loop3A_68 = tpu.memref_slice %arg12[%parallel_loop3A_58, %parallel_loop3A_66, %parallel_loop3A_67] : memref<2x80x128xf32, #tpu.memory_space<vmem>> -> memref<1x80x128xf32, #tpu.memory_space<vmem>>
        %parallel_loop3A_69 = tpu.memref_squeeze %parallel_loop3A_68 : memref<1x80x128xf32, #tpu.memory_space<vmem>> -> memref<80x128xf32, #tpu.memory_space<vmem>>
        %parallel_loop3A_70 = arith.constant 0 : i32
        %parallel_loop3A_71 = tpu.memref_slice %arg11[%parallel_loop3A_58, %parallel_loop3A_70] : memref<2x80xi32, #tpu.memory_space<vmem>> -> memref<1x80xi32, #tpu.memory_space<vmem>>
        %parallel_loop3A_72 = tpu.memref_squeeze %parallel_loop3A_71 : memref<1x80xi32, #tpu.memory_space<vmem>> -> memref<80xi32, #tpu.memory_space<vmem>>
        %parallel_loop3A_73 = arith.constant 0 : i32
        %parallel_loop3A_74 = arith.constant 0 : i32
        %parallel_loop3A_75 = tpu.memref_slice %arg14[%parallel_loop3A_73, %parallel_loop3A_74] : memref<5128x128xf32, #tpu.memory_space<vmem_shared>> -> memref<5128x128xf32, #tpu.memory_space<vmem_shared>>
        tpu.enqueue_indirect_dma source(%parallel_loop3A_69 : memref<80x128xf32, #tpu.memory_space<vmem>>) target(%parallel_loop3A_75 : memref<5128x128xf32, #tpu.memory_space<vmem_shared>>) offsets(%parallel_loop3A_72 : memref<80xi32, #tpu.memory_space<vmem>>) semaphore(%parallel_loop3A_65 : memref<!tpu.dma_semaphore, #tpu.memory_space<semaphore_mem>>) {add = true}
        %parallel_loop3A_76 = arith.constant 0 : i32
        %parallel_loop3A_77 = arith.constant 0 : i32
        %parallel_loop3A_78 = tpu.memref_slice %arg12[%parallel_loop3A_58, %parallel_loop3A_76, %parallel_loop3A_77] : memref<2x80x128xf32, #tpu.memory_space<vmem>> -> memref<1x80x128xf32, #tpu.memory_space<vmem>>
        %parallel_loop3A_79 = tpu.memref_squeeze %parallel_loop3A_78 : memref<1x80x128xf32, #tpu.memory_space<vmem>> -> memref<80x128xf32, #tpu.memory_space<vmem>>
        %parallel_loop3A_80 = arith.constant 0 : i32
        %parallel_loop3A_81 = tpu.memref_slice %arg11[%parallel_loop3A_58, %parallel_loop3A_80] : memref<2x80xi32, #tpu.memory_space<vmem>> -> memref<1x80xi32, #tpu.memory_space<vmem>>
        %parallel_loop3A_82 = tpu.memref_squeeze %parallel_loop3A_81 : memref<1x80xi32, #tpu.memory_space<vmem>> -> memref<80xi32, #tpu.memory_space<vmem>>
        %parallel_loop3A_83 = arith.constant 0 : i32
        %parallel_loop3A_84 = arith.constant 0 : i32
        %parallel_loop3A_85 = tpu.memref_slice %arg14[%parallel_loop3A_83, %parallel_loop3A_84] : memref<5128x128xf32, #tpu.memory_space<vmem_shared>> -> memref<5128x128xf32, #tpu.memory_space<vmem_shared>>
        tpu.wait_indirect_dma semaphore(%parallel_loop3A_65 : memref<!tpu.dma_semaphore, #tpu.memory_space<semaphore_mem>>) src(%parallel_loop3A_79 : memref<80x128xf32, #tpu.memory_space<vmem>>) dst(%parallel_loop3A_85 : memref<5128x128xf32, #tpu.memory_space<vmem_shared>>)
        tpu.yield
      }) : () -> ()
      "tpu.region"() ({
        %parallel_loop3A_65 = tpu.sem_alloc : memref<!tpu.dma_semaphore, #tpu.memory_space<semaphore_mem>>
        %parallel_loop3A_66 = arith.constant 0 : i32
        %parallel_loop3A_67 = arith.constant 0 : i32
        %parallel_loop3A_68 = tpu.memref_slice %arg13[%parallel_loop3A_58, %parallel_loop3A_66, %parallel_loop3A_67] : memref<2x80x32xf32, #tpu.memory_space<vmem>> -> memref<1x80x32xf32, #tpu.memory_space<vmem>>
        %parallel_loop3A_69 = tpu.memref_squeeze %parallel_loop3A_68 : memref<1x80x32xf32, #tpu.memory_space<vmem>> -> memref<80x32xf32, #tpu.memory_space<vmem>>
        %parallel_loop3A_70 = arith.constant 0 : i32
        %parallel_loop3A_71 = tpu.memref_slice %arg11[%parallel_loop3A_58, %parallel_loop3A_70] : memref<2x80xi32, #tpu.memory_space<vmem>> -> memref<1x80xi32, #tpu.memory_space<vmem>>
        %parallel_loop3A_72 = tpu.memref_squeeze %parallel_loop3A_71 : memref<1x80xi32, #tpu.memory_space<vmem>> -> memref<80xi32, #tpu.memory_space<vmem>>
        %parallel_loop3A_73 = arith.constant 0 : i32
        %parallel_loop3A_74 = arith.constant 0 : i32
        %parallel_loop3A_75 = tpu.memref_slice %arg15[%parallel_loop3A_73, %parallel_loop3A_74] : memref<5128x32xf32, #tpu.memory_space<vmem_shared>> -> memref<5128x32xf32, #tpu.memory_space<vmem_shared>>
        tpu.enqueue_indirect_dma source(%parallel_loop3A_69 : memref<80x32xf32, #tpu.memory_space<vmem>>) target(%parallel_loop3A_75 : memref<5128x32xf32, #tpu.memory_space<vmem_shared>>) offsets(%parallel_loop3A_72 : memref<80xi32, #tpu.memory_space<vmem>>) semaphore(%parallel_loop3A_65 : memref<!tpu.dma_semaphore, #tpu.memory_space<semaphore_mem>>) {add = true}
        %parallel_loop3A_76 = arith.constant 0 : i32
        %parallel_loop3A_77 = arith.constant 0 : i32
        %parallel_loop3A_78 = tpu.memref_slice %arg13[%parallel_loop3A_58, %parallel_loop3A_76, %parallel_loop3A_77] : memref<2x80x32xf32, #tpu.memory_space<vmem>> -> memref<1x80x32xf32, #tpu.memory_space<vmem>>
        %parallel_loop3A_79 = tpu.memref_squeeze %parallel_loop3A_78 : memref<1x80x32xf32, #tpu.memory_space<vmem>> -> memref<80x32xf32, #tpu.memory_space<vmem>>
        %parallel_loop3A_80 = arith.constant 0 : i32
        %parallel_loop3A_81 = tpu.memref_slice %arg11[%parallel_loop3A_58, %parallel_loop3A_80] : memref<2x80xi32, #tpu.memory_space<vmem>> -> memref<1x80xi32, #tpu.memory_space<vmem>>
        %parallel_loop3A_82 = tpu.memref_squeeze %parallel_loop3A_81 : memref<1x80xi32, #tpu.memory_space<vmem>> -> memref<80xi32, #tpu.memory_space<vmem>>
        %parallel_loop3A_83 = arith.constant 0 : i32
        %parallel_loop3A_84 = arith.constant 0 : i32
        %parallel_loop3A_85 = tpu.memref_slice %arg15[%parallel_loop3A_83, %parallel_loop3A_84] : memref<5128x32xf32, #tpu.memory_space<vmem_shared>> -> memref<5128x32xf32, #tpu.memory_space<vmem_shared>>
        tpu.wait_indirect_dma semaphore(%parallel_loop3A_65 : memref<!tpu.dma_semaphore, #tpu.memory_space<semaphore_mem>>) src(%parallel_loop3A_79 : memref<80x32xf32, #tpu.memory_space<vmem>>) dst(%parallel_loop3A_85 : memref<5128x32xf32, #tpu.memory_space<vmem_shared>>)
        tpu.yield
      }) : () -> ()
    } {sc.loop_unroll_factor = 1 : i64, sc.parallel_access}
    %barrier3A_31 = arith.constant 0 : index
    tpu.barrier barrier_id(%barrier3A_31)
    %add3A_32 = arith.constant 0 : i32
    %add3A_33 = arith.addi %mul3A_2, %add3A_32 : i32
    %run_scoped3A_34 = arith.constant 0 : i32
    "tpu.region"() ({
      %run_scoped3A_56 = tpu.sem_alloc : memref<!tpu.dma_semaphore, #tpu.memory_space<semaphore_mem>>
      %dma_start3A = arith.constant 0 : i32
      %dma_start3A_57 = arith.constant 0 : i32
      %dma_start3A_58 = tpu.memref_slice %arg12[%run_scoped3A_34, %dma_start3A, %dma_start3A_57] : memref<2x80x128xf32, #tpu.memory_space<vmem>> -> memref<1x80x128xf32, #tpu.memory_space<vmem>>
      %dma_start3A_59 = tpu.memref_squeeze %dma_start3A_58 : memref<1x80x128xf32, #tpu.memory_space<vmem>> -> memref<80x128xf32, #tpu.memory_space<vmem>>
      %dma_start3A_60 = arith.constant 0 : i32
      %dma_start3A_61 = tpu.memref_slice %arg14[%add3A_33, %dma_start3A_60] : memref<5128x128xf32, #tpu.memory_space<vmem_shared>> -> memref<80x128xf32, #tpu.memory_space<vmem_shared>>
      %dma_start3A_62 = arith.constant 0 : i32
      %dma_start3A_63 = arith.constant 0 : i32
      %dma_start3A_64 = tpu.memref_slice %arg12[%run_scoped3A_34, %dma_start3A_62, %dma_start3A_63] : memref<2x80x128xf32, #tpu.memory_space<vmem>> -> memref<1x80x128xf32, #tpu.memory_space<vmem>>
      %dma_start3A_65 = tpu.memref_squeeze %dma_start3A_64 : memref<1x80x128xf32, #tpu.memory_space<vmem>> -> memref<80x128xf32, #tpu.memory_space<vmem>>
      %dma_start3A_66 = arith.constant 0 : i32
      %dma_start3A_67 = tpu.memref_slice %arg14[%add3A_33, %dma_start3A_66] : memref<5128x128xf32, #tpu.memory_space<vmem_shared>> -> memref<80x128xf32, #tpu.memory_space<vmem_shared>>
      tpu.enqueue_dma source(%dma_start3A_67 : memref<80x128xf32, #tpu.memory_space<vmem_shared>>) target(%dma_start3A_65 : memref<80x128xf32, #tpu.memory_space<vmem>>) target_semaphore(%run_scoped3A_56 : memref<!tpu.dma_semaphore, #tpu.memory_space<semaphore_mem>>)
      %dma_wait3A = arith.constant 0 : i32
      %dma_wait3A_68 = arith.constant 0 : i32
      %dma_wait3A_69 = tpu.memref_slice %arg12[%run_scoped3A_34, %dma_wait3A, %dma_wait3A_68] : memref<2x80x128xf32, #tpu.memory_space<vmem>> -> memref<1x80x128xf32, #tpu.memory_space<vmem>>
      %dma_wait3A_70 = tpu.memref_squeeze %dma_wait3A_69 : memref<1x80x128xf32, #tpu.memory_space<vmem>> -> memref<80x128xf32, #tpu.memory_space<vmem>>
      %dma_wait3A_71 = arith.constant 0 : i32
      %dma_wait3A_72 = tpu.memref_slice %arg14[%add3A_33, %dma_wait3A_71] : memref<5128x128xf32, #tpu.memory_space<vmem_shared>> -> memref<80x128xf32, #tpu.memory_space<vmem_shared>>
      %dma_wait3A_73 = arith.constant 0 : i32
      %dma_wait3A_74 = arith.constant 0 : i32
      %dma_wait3A_75 = tpu.memref_slice %arg12[%run_scoped3A_34, %dma_wait3A_73, %dma_wait3A_74] : memref<2x80x128xf32, #tpu.memory_space<vmem>> -> memref<1x80x128xf32, #tpu.memory_space<vmem>>
      %dma_wait3A_76 = tpu.memref_squeeze %dma_wait3A_75 : memref<1x80x128xf32, #tpu.memory_space<vmem>> -> memref<80x128xf32, #tpu.memory_space<vmem>>
      %dma_wait3A_77 = arith.constant 0 : i32
      %dma_wait3A_78 = tpu.memref_slice %arg14[%add3A_33, %dma_wait3A_77] : memref<5128x128xf32, #tpu.memory_space<vmem_shared>> -> memref<80x128xf32, #tpu.memory_space<vmem_shared>>
      tpu.wait_dma2 semaphore(%run_scoped3A_56 : memref<!tpu.dma_semaphore, #tpu.memory_space<semaphore_mem>>) src(%dma_wait3A_78 : memref<80x128xf32, #tpu.memory_space<vmem_shared>>) dst(%dma_wait3A_76 : memref<80x128xf32, #tpu.memory_space<vmem>>)
      tpu.yield
    }) : () -> ()
    %run_scoped3A_35 = arith.constant 0 : i32
    "tpu.region"() ({
      %run_scoped3A_56 = tpu.sem_alloc : memref<!tpu.dma_semaphore, #tpu.memory_space<semaphore_mem>>
      %dma_start3A = arith.constant 0 : i32
      %dma_start3A_57 = arith.constant 0 : i32
      %dma_start3A_58 = tpu.memref_slice %arg12[%run_scoped3A_35, %dma_start3A, %dma_start3A_57] : memref<2x80x128xf32, #tpu.memory_space<vmem>> -> memref<1x80x128xf32, #tpu.memory_space<vmem>>
      %dma_start3A_59 = tpu.memref_squeeze %dma_start3A_58 : memref<1x80x128xf32, #tpu.memory_space<vmem>> -> memref<80x128xf32, #tpu.memory_space<vmem>>
      %dma_start3A_60 = arith.constant 0 : i32
      %dma_start3A_61 = tpu.memref_slice %arg8[%arg0, %add3A_33, %dma_start3A_60] : memref<2x5120x128xf32, #tpu.memory_space<hbm>> -> memref<1x80x128xf32, #tpu.memory_space<hbm>>
      %dma_start3A_62 = tpu.memref_squeeze %dma_start3A_61 : memref<1x80x128xf32, #tpu.memory_space<hbm>> -> memref<80x128xf32, #tpu.memory_space<hbm>>
      %dma_start3A_63 = arith.constant 0 : i32
      %dma_start3A_64 = tpu.memref_slice %arg8[%arg0, %add3A_33, %dma_start3A_63] : memref<2x5120x128xf32, #tpu.memory_space<hbm>> -> memref<1x80x128xf32, #tpu.memory_space<hbm>>
      %dma_start3A_65 = tpu.memref_squeeze %dma_start3A_64 : memref<1x80x128xf32, #tpu.memory_space<hbm>> -> memref<80x128xf32, #tpu.memory_space<hbm>>
      %dma_start3A_66 = arith.constant 0 : i32
      %dma_start3A_67 = arith.constant 0 : i32
      %dma_start3A_68 = tpu.memref_slice %arg12[%run_scoped3A_35, %dma_start3A_66, %dma_start3A_67] : memref<2x80x128xf32, #tpu.memory_space<vmem>> -> memref<1x80x128xf32, #tpu.memory_space<vmem>>
      %dma_start3A_69 = tpu.memref_squeeze %dma_start3A_68 : memref<1x80x128xf32, #tpu.memory_space<vmem>> -> memref<80x128xf32, #tpu.memory_space<vmem>>
      tpu.enqueue_dma source(%dma_start3A_69 : memref<80x128xf32, #tpu.memory_space<vmem>>) target(%dma_start3A_65 : memref<80x128xf32, #tpu.memory_space<hbm>>) target_semaphore(%run_scoped3A_56 : memref<!tpu.dma_semaphore, #tpu.memory_space<semaphore_mem>>)
      %dma_wait3A = arith.constant 0 : i32
      %dma_wait3A_70 = arith.constant 0 : i32
      %dma_wait3A_71 = tpu.memref_slice %arg12[%run_scoped3A_35, %dma_wait3A, %dma_wait3A_70] : memref<2x80x128xf32, #tpu.memory_space<vmem>> -> memref<1x80x128xf32, #tpu.memory_space<vmem>>
      %dma_wait3A_72 = tpu.memref_squeeze %dma_wait3A_71 : memref<1x80x128xf32, #tpu.memory_space<vmem>> -> memref<80x128xf32, #tpu.memory_space<vmem>>
      %dma_wait3A_73 = arith.constant 0 : i32
      %dma_wait3A_74 = tpu.memref_slice %arg8[%arg0, %add3A_33, %dma_wait3A_73] : memref<2x5120x128xf32, #tpu.memory_space<hbm>> -> memref<1x80x128xf32, #tpu.memory_space<hbm>>
      %dma_wait3A_75 = tpu.memref_squeeze %dma_wait3A_74 : memref<1x80x128xf32, #tpu.memory_space<hbm>> -> memref<80x128xf32, #tpu.memory_space<hbm>>
      %dma_wait3A_76 = arith.constant 0 : i32
      %dma_wait3A_77 = tpu.memref_slice %arg8[%arg0, %add3A_33, %dma_wait3A_76] : memref<2x5120x128xf32, #tpu.memory_space<hbm>> -> memref<1x80x128xf32, #tpu.memory_space<hbm>>
      %dma_wait3A_78 = tpu.memref_squeeze %dma_wait3A_77 : memref<1x80x128xf32, #tpu.memory_space<hbm>> -> memref<80x128xf32, #tpu.memory_space<hbm>>
      %dma_wait3A_79 = arith.constant 0 : i32
      %dma_wait3A_80 = arith.constant 0 : i32
      %dma_wait3A_81 = tpu.memref_slice %arg12[%run_scoped3A_35, %dma_wait3A_79, %dma_wait3A_80] : memref<2x80x128xf32, #tpu.memory_space<vmem>> -> memref<1x80x128xf32, #tpu.memory_space<vmem>>
      %dma_wait3A_82 = tpu.memref_squeeze %dma_wait3A_81 : memref<1x80x128xf32, #tpu.memory_space<vmem>> -> memref<80x128xf32, #tpu.memory_space<vmem>>
      tpu.wait_dma2 semaphore(%run_scoped3A_56 : memref<!tpu.dma_semaphore, #tpu.memory_space<semaphore_mem>>) src(%dma_wait3A_82 : memref<80x128xf32, #tpu.memory_space<vmem>>) dst(%dma_wait3A_78 : memref<80x128xf32, #tpu.memory_space<hbm>>)
      tpu.yield
    }) : () -> ()
    %run_scoped3A_36 = arith.constant 0 : i32
    "tpu.region"() ({
      %run_scoped3A_56 = tpu.sem_alloc : memref<!tpu.dma_semaphore, #tpu.memory_space<semaphore_mem>>
      %dma_start3A = arith.constant 0 : i32
      %dma_start3A_57 = arith.constant 0 : i32
      %dma_start3A_58 = tpu.memref_slice %arg13[%run_scoped3A_36, %dma_start3A, %dma_start3A_57] : memref<2x80x32xf32, #tpu.memory_space<vmem>> -> memref<1x80x32xf32, #tpu.memory_space<vmem>>
      %dma_start3A_59 = tpu.memref_squeeze %dma_start3A_58 : memref<1x80x32xf32, #tpu.memory_space<vmem>> -> memref<80x32xf32, #tpu.memory_space<vmem>>
      %dma_start3A_60 = arith.constant 0 : i32
      %dma_start3A_61 = tpu.memref_slice %arg15[%add3A_33, %dma_start3A_60] : memref<5128x32xf32, #tpu.memory_space<vmem_shared>> -> memref<80x32xf32, #tpu.memory_space<vmem_shared>>
      %dma_start3A_62 = arith.constant 0 : i32
      %dma_start3A_63 = arith.constant 0 : i32
      %dma_start3A_64 = tpu.memref_slice %arg13[%run_scoped3A_36, %dma_start3A_62, %dma_start3A_63] : memref<2x80x32xf32, #tpu.memory_space<vmem>> -> memref<1x80x32xf32, #tpu.memory_space<vmem>>
      %dma_start3A_65 = tpu.memref_squeeze %dma_start3A_64 : memref<1x80x32xf32, #tpu.memory_space<vmem>> -> memref<80x32xf32, #tpu.memory_space<vmem>>
      %dma_start3A_66 = arith.constant 0 : i32
      %dma_start3A_67 = tpu.memref_slice %arg15[%add3A_33, %dma_start3A_66] : memref<5128x32xf32, #tpu.memory_space<vmem_shared>> -> memref<80x32xf32, #tpu.memory_space<vmem_shared>>
      tpu.enqueue_dma source(%dma_start3A_67 : memref<80x32xf32, #tpu.memory_space<vmem_shared>>) target(%dma_start3A_65 : memref<80x32xf32, #tpu.memory_space<vmem>>) target_semaphore(%run_scoped3A_56 : memref<!tpu.dma_semaphore, #tpu.memory_space<semaphore_mem>>)
      %dma_wait3A = arith.constant 0 : i32
      %dma_wait3A_68 = arith.constant 0 : i32
      %dma_wait3A_69 = tpu.memref_slice %arg13[%run_scoped3A_36, %dma_wait3A, %dma_wait3A_68] : memref<2x80x32xf32, #tpu.memory_space<vmem>> -> memref<1x80x32xf32, #tpu.memory_space<vmem>>
      %dma_wait3A_70 = tpu.memref_squeeze %dma_wait3A_69 : memref<1x80x32xf32, #tpu.memory_space<vmem>> -> memref<80x32xf32, #tpu.memory_space<vmem>>
      %dma_wait3A_71 = arith.constant 0 : i32
      %dma_wait3A_72 = tpu.memref_slice %arg15[%add3A_33, %dma_wait3A_71] : memref<5128x32xf32, #tpu.memory_space<vmem_shared>> -> memref<80x32xf32, #tpu.memory_space<vmem_shared>>
      %dma_wait3A_73 = arith.constant 0 : i32
      %dma_wait3A_74 = arith.constant 0 : i32
      %dma_wait3A_75 = tpu.memref_slice %arg13[%run_scoped3A_36, %dma_wait3A_73, %dma_wait3A_74] : memref<2x80x32xf32, #tpu.memory_space<vmem>> -> memref<1x80x32xf32, #tpu.memory_space<vmem>>
      %dma_wait3A_76 = tpu.memref_squeeze %dma_wait3A_75 : memref<1x80x32xf32, #tpu.memory_space<vmem>> -> memref<80x32xf32, #tpu.memory_space<vmem>>
      %dma_wait3A_77 = arith.constant 0 : i32
      %dma_wait3A_78 = tpu.memref_slice %arg15[%add3A_33, %dma_wait3A_77] : memref<5128x32xf32, #tpu.memory_space<vmem_shared>> -> memref<80x32xf32, #tpu.memory_space<vmem_shared>>
      tpu.wait_dma2 semaphore(%run_scoped3A_56 : memref<!tpu.dma_semaphore, #tpu.memory_space<semaphore_mem>>) src(%dma_wait3A_78 : memref<80x32xf32, #tpu.memory_space<vmem_shared>>) dst(%dma_wait3A_76 : memref<80x32xf32, #tpu.memory_space<vmem>>)
      tpu.yield
    }) : () -> ()
    %run_scoped3A_37 = arith.constant 0 : i32
    "tpu.region"() ({
      %run_scoped3A_56 = tpu.sem_alloc : memref<!tpu.dma_semaphore, #tpu.memory_space<semaphore_mem>>
      %dma_start3A = arith.constant 0 : i32
      %dma_start3A_57 = arith.constant 0 : i32
      %dma_start3A_58 = tpu.memref_slice %arg13[%run_scoped3A_37, %dma_start3A, %dma_start3A_57] : memref<2x80x32xf32, #tpu.memory_space<vmem>> -> memref<1x80x32xf32, #tpu.memory_space<vmem>>
      %dma_start3A_59 = tpu.memref_squeeze %dma_start3A_58 : memref<1x80x32xf32, #tpu.memory_space<vmem>> -> memref<80x32xf32, #tpu.memory_space<vmem>>
      %dma_start3A_60 = arith.constant 0 : i32
      %dma_start3A_61 = tpu.memref_slice %arg9[%arg0, %add3A_33, %dma_start3A_60] : memref<2x5120x32xf32, #tpu.memory_space<hbm>> -> memref<1x80x32xf32, #tpu.memory_space<hbm>>
      %dma_start3A_62 = tpu.memref_squeeze %dma_start3A_61 : memref<1x80x32xf32, #tpu.memory_space<hbm>> -> memref<80x32xf32, #tpu.memory_space<hbm>>
      %dma_start3A_63 = arith.constant 0 : i32
      %dma_start3A_64 = tpu.memref_slice %arg9[%arg0, %add3A_33, %dma_start3A_63] : memref<2x5120x32xf32, #tpu.memory_space<hbm>> -> memref<1x80x32xf32, #tpu.memory_space<hbm>>
      %dma_start3A_65 = tpu.memref_squeeze %dma_start3A_64 : memref<1x80x32xf32, #tpu.memory_space<hbm>> -> memref<80x32xf32, #tpu.memory_space<hbm>>
      %dma_start3A_66 = arith.constant 0 : i32
      %dma_start3A_67 = arith.constant 0 : i32
      %dma_start3A_68 = tpu.memref_slice %arg13[%run_scoped3A_37, %dma_start3A_66, %dma_start3A_67] : memref<2x80x32xf32, #tpu.memory_space<vmem>> -> memref<1x80x32xf32, #tpu.memory_space<vmem>>
      %dma_start3A_69 = tpu.memref_squeeze %dma_start3A_68 : memref<1x80x32xf32, #tpu.memory_space<vmem>> -> memref<80x32xf32, #tpu.memory_space<vmem>>
      tpu.enqueue_dma source(%dma_start3A_69 : memref<80x32xf32, #tpu.memory_space<vmem>>) target(%dma_start3A_65 : memref<80x32xf32, #tpu.memory_space<hbm>>) target_semaphore(%run_scoped3A_56 : memref<!tpu.dma_semaphore, #tpu.memory_space<semaphore_mem>>)
      %dma_wait3A = arith.constant 0 : i32
      %dma_wait3A_70 = arith.constant 0 : i32
      %dma_wait3A_71 = tpu.memref_slice %arg13[%run_scoped3A_37, %dma_wait3A, %dma_wait3A_70] : memref<2x80x32xf32, #tpu.memory_space<vmem>> -> memref<1x80x32xf32, #tpu.memory_space<vmem>>
      %dma_wait3A_72 = tpu.memref_squeeze %dma_wait3A_71 : memref<1x80x32xf32, #tpu.memory_space<vmem>> -> memref<80x32xf32, #tpu.memory_space<vmem>>
      %dma_wait3A_73 = arith.constant 0 : i32
      %dma_wait3A_74 = tpu.memref_slice %arg9[%arg0, %add3A_33, %dma_wait3A_73] : memref<2x5120x32xf32, #tpu.memory_space<hbm>> -> memref<1x80x32xf32, #tpu.memory_space<hbm>>
      %dma_wait3A_75 = tpu.memref_squeeze %dma_wait3A_74 : memref<1x80x32xf32, #tpu.memory_space<hbm>> -> memref<80x32xf32, #tpu.memory_space<hbm>>
      %dma_wait3A_76 = arith.constant 0 : i32
      %dma_wait3A_77 = tpu.memref_slice %arg9[%arg0, %add3A_33, %dma_wait3A_76] : memref<2x5120x32xf32, #tpu.memory_space<hbm>> -> memref<1x80x32xf32, #tpu.memory_space<hbm>>
      %dma_wait3A_78 = tpu.memref_squeeze %dma_wait3A_77 : memref<1x80x32xf32, #tpu.memory_space<hbm>> -> memref<80x32xf32, #tpu.memory_space<hbm>>
      %dma_wait3A_79 = arith.constant 0 : i32
      %dma_wait3A_80 = arith.constant 0 : i32
      %dma_wait3A_81 = tpu.memref_slice %arg13[%run_scoped3A_37, %dma_wait3A_79, %dma_wait3A_80] : memref<2x80x32xf32, #tpu.memory_space<vmem>> -> memref<1x80x32xf32, #tpu.memory_space<vmem>>
      %dma_wait3A_82 = tpu.memref_squeeze %dma_wait3A_81 : memref<1x80x32xf32, #tpu.memory_space<vmem>> -> memref<80x32xf32, #tpu.memory_space<vmem>>
      tpu.wait_dma2 semaphore(%run_scoped3A_56 : memref<!tpu.dma_semaphore, #tpu.memory_space<semaphore_mem>>) src(%dma_wait3A_82 : memref<80x32xf32, #tpu.memory_space<vmem>>) dst(%dma_wait3A_78 : memref<80x32xf32, #tpu.memory_space<hbm>>)
      tpu.yield
    }) : () -> ()
    %add3A_38 = arith.constant 80 : i32
    %add3A_39 = arith.addi %mul3A_2, %add3A_38 : i32
    %run_scoped3A_40 = arith.constant 0 : i32
    "tpu.region"() ({
      %run_scoped3A_56 = tpu.sem_alloc : memref<!tpu.dma_semaphore, #tpu.memory_space<semaphore_mem>>
      %dma_start3A = arith.constant 0 : i32
      %dma_start3A_57 = arith.constant 0 : i32
      %dma_start3A_58 = tpu.memref_slice %arg12[%run_scoped3A_40, %dma_start3A, %dma_start3A_57] : memref<2x80x128xf32, #tpu.memory_space<vmem>> -> memref<1x80x128xf32, #tpu.memory_space<vmem>>
      %dma_start3A_59 = tpu.memref_squeeze %dma_start3A_58 : memref<1x80x128xf32, #tpu.memory_space<vmem>> -> memref<80x128xf32, #tpu.memory_space<vmem>>
      %dma_start3A_60 = arith.constant 0 : i32
      %dma_start3A_61 = tpu.memref_slice %arg14[%add3A_39, %dma_start3A_60] : memref<5128x128xf32, #tpu.memory_space<vmem_shared>> -> memref<80x128xf32, #tpu.memory_space<vmem_shared>>
      %dma_start3A_62 = arith.constant 0 : i32
      %dma_start3A_63 = arith.constant 0 : i32
      %dma_start3A_64 = tpu.memref_slice %arg12[%run_scoped3A_40, %dma_start3A_62, %dma_start3A_63] : memref<2x80x128xf32, #tpu.memory_space<vmem>> -> memref<1x80x128xf32, #tpu.memory_space<vmem>>
      %dma_start3A_65 = tpu.memref_squeeze %dma_start3A_64 : memref<1x80x128xf32, #tpu.memory_space<vmem>> -> memref<80x128xf32, #tpu.memory_space<vmem>>
      %dma_start3A_66 = arith.constant 0 : i32
      %dma_start3A_67 = tpu.memref_slice %arg14[%add3A_39, %dma_start3A_66] : memref<5128x128xf32, #tpu.memory_space<vmem_shared>> -> memref<80x128xf32, #tpu.memory_space<vmem_shared>>
      tpu.enqueue_dma source(%dma_start3A_67 : memref<80x128xf32, #tpu.memory_space<vmem_shared>>) target(%dma_start3A_65 : memref<80x128xf32, #tpu.memory_space<vmem>>) target_semaphore(%run_scoped3A_56 : memref<!tpu.dma_semaphore, #tpu.memory_space<semaphore_mem>>)
      %dma_wait3A = arith.constant 0 : i32
      %dma_wait3A_68 = arith.constant 0 : i32
      %dma_wait3A_69 = tpu.memref_slice %arg12[%run_scoped3A_40, %dma_wait3A, %dma_wait3A_68] : memref<2x80x128xf32, #tpu.memory_space<vmem>> -> memref<1x80x128xf32, #tpu.memory_space<vmem>>
      %dma_wait3A_70 = tpu.memref_squeeze %dma_wait3A_69 : memref<1x80x128xf32, #tpu.memory_space<vmem>> -> memref<80x128xf32, #tpu.memory_space<vmem>>
      %dma_wait3A_71 = arith.constant 0 : i32
      %dma_wait3A_72 = tpu.memref_slice %arg14[%add3A_39, %dma_wait3A_71] : memref<5128x128xf32, #tpu.memory_space<vmem_shared>> -> memref<80x128xf32, #tpu.memory_space<vmem_shared>>
      %dma_wait3A_73 = arith.constant 0 : i32
      %dma_wait3A_74 = arith.constant 0 : i32
      %dma_wait3A_75 = tpu.memref_slice %arg12[%run_scoped3A_40, %dma_wait3A_73, %dma_wait3A_74] : memref<2x80x128xf32, #tpu.memory_space<vmem>> -> memref<1x80x128xf32, #tpu.memory_space<vmem>>
      %dma_wait3A_76 = tpu.memref_squeeze %dma_wait3A_75 : memref<1x80x128xf32, #tpu.memory_space<vmem>> -> memref<80x128xf32, #tpu.memory_space<vmem>>
      %dma_wait3A_77 = arith.constant 0 : i32
      %dma_wait3A_78 = tpu.memref_slice %arg14[%add3A_39, %dma_wait3A_77] : memref<5128x128xf32, #tpu.memory_space<vmem_shared>> -> memref<80x128xf32, #tpu.memory_space<vmem_shared>>
      tpu.wait_dma2 semaphore(%run_scoped3A_56 : memref<!tpu.dma_semaphore, #tpu.memory_space<semaphore_mem>>) src(%dma_wait3A_78 : memref<80x128xf32, #tpu.memory_space<vmem_shared>>) dst(%dma_wait3A_76 : memref<80x128xf32, #tpu.memory_space<vmem>>)
      tpu.yield
    }) : () -> ()
    %run_scoped3A_41 = arith.constant 0 : i32
    "tpu.region"() ({
      %run_scoped3A_56 = tpu.sem_alloc : memref<!tpu.dma_semaphore, #tpu.memory_space<semaphore_mem>>
      %dma_start3A = arith.constant 0 : i32
      %dma_start3A_57 = arith.constant 0 : i32
      %dma_start3A_58 = tpu.memref_slice %arg12[%run_scoped3A_41, %dma_start3A, %dma_start3A_57] : memref<2x80x128xf32, #tpu.memory_space<vmem>> -> memref<1x80x128xf32, #tpu.memory_space<vmem>>
      %dma_start3A_59 = tpu.memref_squeeze %dma_start3A_58 : memref<1x80x128xf32, #tpu.memory_space<vmem>> -> memref<80x128xf32, #tpu.memory_space<vmem>>
      %dma_start3A_60 = arith.constant 0 : i32
      %dma_start3A_61 = tpu.memref_slice %arg8[%arg0, %add3A_39, %dma_start3A_60] : memref<2x5120x128xf32, #tpu.memory_space<hbm>> -> memref<1x80x128xf32, #tpu.memory_space<hbm>>
      %dma_start3A_62 = tpu.memref_squeeze %dma_start3A_61 : memref<1x80x128xf32, #tpu.memory_space<hbm>> -> memref<80x128xf32, #tpu.memory_space<hbm>>
      %dma_start3A_63 = arith.constant 0 : i32
      %dma_start3A_64 = tpu.memref_slice %arg8[%arg0, %add3A_39, %dma_start3A_63] : memref<2x5120x128xf32, #tpu.memory_space<hbm>> -> memref<1x80x128xf32, #tpu.memory_space<hbm>>
      %dma_start3A_65 = tpu.memref_squeeze %dma_start3A_64 : memref<1x80x128xf32, #tpu.memory_space<hbm>> -> memref<80x128xf32, #tpu.memory_space<hbm>>
      %dma_start3A_66 = arith.constant 0 : i32
      %dma_start3A_67 = arith.constant 0 : i32
      %dma_start3A_68 = tpu.memref_slice %arg12[%run_scoped3A_41, %dma_start3A_66, %dma_start3A_67] : memref<2x80x128xf32, #tpu.memory_space<vmem>> -> memref<1x80x128xf32, #tpu.memory_space<vmem>>
      %dma_start3A_69 = tpu.memref_squeeze %dma_start3A_68 : memref<1x80x128xf32, #tpu.memory_space<vmem>> -> memref<80x128xf32, #tpu.memory_space<vmem>>
      tpu.enqueue_dma source(%dma_start3A_69 : memref<80x128xf32, #tpu.memory_space<vmem>>) target(%dma_start3A_65 : memref<80x128xf32, #tpu.memory_space<hbm>>) target_semaphore(%run_scoped3A_56 : memref<!tpu.dma_semaphore, #tpu.memory_space<semaphore_mem>>)
      %dma_wait3A = arith.constant 0 : i32
      %dma_wait3A_70 = arith.constant 0 : i32
      %dma_wait3A_71 = tpu.memref_slice %arg12[%run_scoped3A_41, %dma_wait3A, %dma_wait3A_70] : memref<2x80x128xf32, #tpu.memory_space<vmem>> -> memref<1x80x128xf32, #tpu.memory_space<vmem>>
      %dma_wait3A_72 = tpu.memref_squeeze %dma_wait3A_71 : memref<1x80x128xf32, #tpu.memory_space<vmem>> -> memref<80x128xf32, #tpu.memory_space<vmem>>
      %dma_wait3A_73 = arith.constant 0 : i32
      %dma_wait3A_74 = tpu.memref_slice %arg8[%arg0, %add3A_39, %dma_wait3A_73] : memref<2x5120x128xf32, #tpu.memory_space<hbm>> -> memref<1x80x128xf32, #tpu.memory_space<hbm>>
      %dma_wait3A_75 = tpu.memref_squeeze %dma_wait3A_74 : memref<1x80x128xf32, #tpu.memory_space<hbm>> -> memref<80x128xf32, #tpu.memory_space<hbm>>
      %dma_wait3A_76 = arith.constant 0 : i32
      %dma_wait3A_77 = tpu.memref_slice %arg8[%arg0, %add3A_39, %dma_wait3A_76] : memref<2x5120x128xf32, #tpu.memory_space<hbm>> -> memref<1x80x128xf32, #tpu.memory_space<hbm>>
      %dma_wait3A_78 = tpu.memref_squeeze %dma_wait3A_77 : memref<1x80x128xf32, #tpu.memory_space<hbm>> -> memref<80x128xf32, #tpu.memory_space<hbm>>
      %dma_wait3A_79 = arith.constant 0 : i32
      %dma_wait3A_80 = arith.constant 0 : i32
      %dma_wait3A_81 = tpu.memref_slice %arg12[%run_scoped3A_41, %dma_wait3A_79, %dma_wait3A_80] : memref<2x80x128xf32, #tpu.memory_space<vmem>> -> memref<1x80x128xf32, #tpu.memory_space<vmem>>
      %dma_wait3A_82 = tpu.memref_squeeze %dma_wait3A_81 : memref<1x80x128xf32, #tpu.memory_space<vmem>> -> memref<80x128xf32, #tpu.memory_space<vmem>>
      tpu.wait_dma2 semaphore(%run_scoped3A_56 : memref<!tpu.dma_semaphore, #tpu.memory_space<semaphore_mem>>) src(%dma_wait3A_82 : memref<80x128xf32, #tpu.memory_space<vmem>>) dst(%dma_wait3A_78 : memref<80x128xf32, #tpu.memory_space<hbm>>)
      tpu.yield
    }) : () -> ()
    %run_scoped3A_42 = arith.constant 0 : i32
    "tpu.region"() ({
      %run_scoped3A_56 = tpu.sem_alloc : memref<!tpu.dma_semaphore, #tpu.memory_space<semaphore_mem>>
      %dma_start3A = arith.constant 0 : i32
      %dma_start3A_57 = arith.constant 0 : i32
      %dma_start3A_58 = tpu.memref_slice %arg13[%run_scoped3A_42, %dma_start3A, %dma_start3A_57] : memref<2x80x32xf32, #tpu.memory_space<vmem>> -> memref<1x80x32xf32, #tpu.memory_space<vmem>>
      %dma_start3A_59 = tpu.memref_squeeze %dma_start3A_58 : memref<1x80x32xf32, #tpu.memory_space<vmem>> -> memref<80x32xf32, #tpu.memory_space<vmem>>
      %dma_start3A_60 = arith.constant 0 : i32
      %dma_start3A_61 = tpu.memref_slice %arg15[%add3A_39, %dma_start3A_60] : memref<5128x32xf32, #tpu.memory_space<vmem_shared>> -> memref<80x32xf32, #tpu.memory_space<vmem_shared>>
      %dma_start3A_62 = arith.constant 0 : i32
      %dma_start3A_63 = arith.constant 0 : i32
      %dma_start3A_64 = tpu.memref_slice %arg13[%run_scoped3A_42, %dma_start3A_62, %dma_start3A_63] : memref<2x80x32xf32, #tpu.memory_space<vmem>> -> memref<1x80x32xf32, #tpu.memory_space<vmem>>
      %dma_start3A_65 = tpu.memref_squeeze %dma_start3A_64 : memref<1x80x32xf32, #tpu.memory_space<vmem>> -> memref<80x32xf32, #tpu.memory_space<vmem>>
      %dma_start3A_66 = arith.constant 0 : i32
      %dma_start3A_67 = tpu.memref_slice %arg15[%add3A_39, %dma_start3A_66] : memref<5128x32xf32, #tpu.memory_space<vmem_shared>> -> memref<80x32xf32, #tpu.memory_space<vmem_shared>>
      tpu.enqueue_dma source(%dma_start3A_67 : memref<80x32xf32, #tpu.memory_space<vmem_shared>>) target(%dma_start3A_65 : memref<80x32xf32, #tpu.memory_space<vmem>>) target_semaphore(%run_scoped3A_56 : memref<!tpu.dma_semaphore, #tpu.memory_space<semaphore_mem>>)
      %dma_wait3A = arith.constant 0 : i32
      %dma_wait3A_68 = arith.constant 0 : i32
      %dma_wait3A_69 = tpu.memref_slice %arg13[%run_scoped3A_42, %dma_wait3A, %dma_wait3A_68] : memref<2x80x32xf32, #tpu.memory_space<vmem>> -> memref<1x80x32xf32, #tpu.memory_space<vmem>>
      %dma_wait3A_70 = tpu.memref_squeeze %dma_wait3A_69 : memref<1x80x32xf32, #tpu.memory_space<vmem>> -> memref<80x32xf32, #tpu.memory_space<vmem>>
      %dma_wait3A_71 = arith.constant 0 : i32
      %dma_wait3A_72 = tpu.memref_slice %arg15[%add3A_39, %dma_wait3A_71] : memref<5128x32xf32, #tpu.memory_space<vmem_shared>> -> memref<80x32xf32, #tpu.memory_space<vmem_shared>>
      %dma_wait3A_73 = arith.constant 0 : i32
      %dma_wait3A_74 = arith.constant 0 : i32
      %dma_wait3A_75 = tpu.memref_slice %arg13[%run_scoped3A_42, %dma_wait3A_73, %dma_wait3A_74] : memref<2x80x32xf32, #tpu.memory_space<vmem>> -> memref<1x80x32xf32, #tpu.memory_space<vmem>>
      %dma_wait3A_76 = tpu.memref_squeeze %dma_wait3A_75 : memref<1x80x32xf32, #tpu.memory_space<vmem>> -> memref<80x32xf32, #tpu.memory_space<vmem>>
      %dma_wait3A_77 = arith.constant 0 : i32
      %dma_wait3A_78 = tpu.memref_slice %arg15[%add3A_39, %dma_wait3A_77] : memref<5128x32xf32, #tpu.memory_space<vmem_shared>> -> memref<80x32xf32, #tpu.memory_space<vmem_shared>>
      tpu.wait_dma2 semaphore(%run_scoped3A_56 : memref<!tpu.dma_semaphore, #tpu.memory_space<semaphore_mem>>) src(%dma_wait3A_78 : memref<80x32xf32, #tpu.memory_space<vmem_shared>>) dst(%dma_wait3A_76 : memref<80x32xf32, #tpu.memory_space<vmem>>)
      tpu.yield
    }) : () -> ()
    %run_scoped3A_43 = arith.constant 0 : i32
    "tpu.region"() ({
      %run_scoped3A_56 = tpu.sem_alloc : memref<!tpu.dma_semaphore, #tpu.memory_space<semaphore_mem>>
      %dma_start3A = arith.constant 0 : i32
      %dma_start3A_57 = arith.constant 0 : i32
      %dma_start3A_58 = tpu.memref_slice %arg13[%run_scoped3A_43, %dma_start3A, %dma_start3A_57] : memref<2x80x32xf32, #tpu.memory_space<vmem>> -> memref<1x80x32xf32, #tpu.memory_space<vmem>>
      %dma_start3A_59 = tpu.memref_squeeze %dma_start3A_58 : memref<1x80x32xf32, #tpu.memory_space<vmem>> -> memref<80x32xf32, #tpu.memory_space<vmem>>
      %dma_start3A_60 = arith.constant 0 : i32
      %dma_start3A_61 = tpu.memref_slice %arg9[%arg0, %add3A_39, %dma_start3A_60] : memref<2x5120x32xf32, #tpu.memory_space<hbm>> -> memref<1x80x32xf32, #tpu.memory_space<hbm>>
      %dma_start3A_62 = tpu.memref_squeeze %dma_start3A_61 : memref<1x80x32xf32, #tpu.memory_space<hbm>> -> memref<80x32xf32, #tpu.memory_space<hbm>>
      %dma_start3A_63 = arith.constant 0 : i32
      %dma_start3A_64 = tpu.memref_slice %arg9[%arg0, %add3A_39, %dma_start3A_63] : memref<2x5120x32xf32, #tpu.memory_space<hbm>> -> memref<1x80x32xf32, #tpu.memory_space<hbm>>
      %dma_start3A_65 = tpu.memref_squeeze %dma_start3A_64 : memref<1x80x32xf32, #tpu.memory_space<hbm>> -> memref<80x32xf32, #tpu.memory_space<hbm>>
      %dma_start3A_66 = arith.constant 0 : i32
      %dma_start3A_67 = arith.constant 0 : i32
      %dma_start3A_68 = tpu.memref_slice %arg13[%run_scoped3A_43, %dma_start3A_66, %dma_start3A_67] : memref<2x80x32xf32, #tpu.memory_space<vmem>> -> memref<1x80x32xf32, #tpu.memory_space<vmem>>
      %dma_start3A_69 = tpu.memref_squeeze %dma_start3A_68 : memref<1x80x32xf32, #tpu.memory_space<vmem>> -> memref<80x32xf32, #tpu.memory_space<vmem>>
      tpu.enqueue_dma source(%dma_start3A_69 : memref<80x32xf32, #tpu.memory_space<vmem>>) target(%dma_start3A_65 : memref<80x32xf32, #tpu.memory_space<hbm>>) target_semaphore(%run_scoped3A_56 : memref<!tpu.dma_semaphore, #tpu.memory_space<semaphore_mem>>)
      %dma_wait3A = arith.constant 0 : i32
      %dma_wait3A_70 = arith.constant 0 : i32
      %dma_wait3A_71 = tpu.memref_slice %arg13[%run_scoped3A_43, %dma_wait3A, %dma_wait3A_70] : memref<2x80x32xf32, #tpu.memory_space<vmem>> -> memref<1x80x32xf32, #tpu.memory_space<vmem>>
      %dma_wait3A_72 = tpu.memref_squeeze %dma_wait3A_71 : memref<1x80x32xf32, #tpu.memory_space<vmem>> -> memref<80x32xf32, #tpu.memory_space<vmem>>
      %dma_wait3A_73 = arith.constant 0 : i32
      %dma_wait3A_74 = tpu.memref_slice %arg9[%arg0, %add3A_39, %dma_wait3A_73] : memref<2x5120x32xf32, #tpu.memory_space<hbm>> -> memref<1x80x32xf32, #tpu.memory_space<hbm>>
      %dma_wait3A_75 = tpu.memref_squeeze %dma_wait3A_74 : memref<1x80x32xf32, #tpu.memory_space<hbm>> -> memref<80x32xf32, #tpu.memory_space<hbm>>
      %dma_wait3A_76 = arith.constant 0 : i32
      %dma_wait3A_77 = tpu.memref_slice %arg9[%arg0, %add3A_39, %dma_wait3A_76] : memref<2x5120x32xf32, #tpu.memory_space<hbm>> -> memref<1x80x32xf32, #tpu.memory_space<hbm>>
      %dma_wait3A_78 = tpu.memref_squeeze %dma_wait3A_77 : memref<1x80x32xf32, #tpu.memory_space<hbm>> -> memref<80x32xf32, #tpu.memory_space<hbm>>
      %dma_wait3A_79 = arith.constant 0 : i32
      %dma_wait3A_80 = arith.constant 0 : i32
      %dma_wait3A_81 = tpu.memref_slice %arg13[%run_scoped3A_43, %dma_wait3A_79, %dma_wait3A_80] : memref<2x80x32xf32, #tpu.memory_space<vmem>> -> memref<1x80x32xf32, #tpu.memory_space<vmem>>
      %dma_wait3A_82 = tpu.memref_squeeze %dma_wait3A_81 : memref<1x80x32xf32, #tpu.memory_space<vmem>> -> memref<80x32xf32, #tpu.memory_space<vmem>>
      tpu.wait_dma2 semaphore(%run_scoped3A_56 : memref<!tpu.dma_semaphore, #tpu.memory_space<semaphore_mem>>) src(%dma_wait3A_82 : memref<80x32xf32, #tpu.memory_space<vmem>>) dst(%dma_wait3A_78 : memref<80x32xf32, #tpu.memory_space<hbm>>)
      tpu.yield
    }) : () -> ()
    %add3A_44 = arith.constant 160 : i32
    %add3A_45 = arith.addi %mul3A_2, %add3A_44 : i32
    %run_scoped3A_46 = arith.constant 0 : i32
    "tpu.region"() ({
      %run_scoped3A_56 = tpu.sem_alloc : memref<!tpu.dma_semaphore, #tpu.memory_space<semaphore_mem>>
      %dma_start3A = arith.constant 0 : i32
      %dma_start3A_57 = arith.constant 0 : i32
      %dma_start3A_58 = tpu.memref_slice %arg12[%run_scoped3A_46, %dma_start3A, %dma_start3A_57] : memref<2x80x128xf32, #tpu.memory_space<vmem>> -> memref<1x80x128xf32, #tpu.memory_space<vmem>>
      %dma_start3A_59 = tpu.memref_squeeze %dma_start3A_58 : memref<1x80x128xf32, #tpu.memory_space<vmem>> -> memref<80x128xf32, #tpu.memory_space<vmem>>
      %dma_start3A_60 = arith.constant 0 : i32
      %dma_start3A_61 = tpu.memref_slice %arg14[%add3A_45, %dma_start3A_60] : memref<5128x128xf32, #tpu.memory_space<vmem_shared>> -> memref<80x128xf32, #tpu.memory_space<vmem_shared>>
      %dma_start3A_62 = arith.constant 0 : i32
      %dma_start3A_63 = arith.constant 0 : i32
      %dma_start3A_64 = tpu.memref_slice %arg12[%run_scoped3A_46, %dma_start3A_62, %dma_start3A_63] : memref<2x80x128xf32, #tpu.memory_space<vmem>> -> memref<1x80x128xf32, #tpu.memory_space<vmem>>
      %dma_start3A_65 = tpu.memref_squeeze %dma_start3A_64 : memref<1x80x128xf32, #tpu.memory_space<vmem>> -> memref<80x128xf32, #tpu.memory_space<vmem>>
      %dma_start3A_66 = arith.constant 0 : i32
      %dma_start3A_67 = tpu.memref_slice %arg14[%add3A_45, %dma_start3A_66] : memref<5128x128xf32, #tpu.memory_space<vmem_shared>> -> memref<80x128xf32, #tpu.memory_space<vmem_shared>>
      tpu.enqueue_dma source(%dma_start3A_67 : memref<80x128xf32, #tpu.memory_space<vmem_shared>>) target(%dma_start3A_65 : memref<80x128xf32, #tpu.memory_space<vmem>>) target_semaphore(%run_scoped3A_56 : memref<!tpu.dma_semaphore, #tpu.memory_space<semaphore_mem>>)
      %dma_wait3A = arith.constant 0 : i32
      %dma_wait3A_68 = arith.constant 0 : i32
      %dma_wait3A_69 = tpu.memref_slice %arg12[%run_scoped3A_46, %dma_wait3A, %dma_wait3A_68] : memref<2x80x128xf32, #tpu.memory_space<vmem>> -> memref<1x80x128xf32, #tpu.memory_space<vmem>>
      %dma_wait3A_70 = tpu.memref_squeeze %dma_wait3A_69 : memref<1x80x128xf32, #tpu.memory_space<vmem>> -> memref<80x128xf32, #tpu.memory_space<vmem>>
      %dma_wait3A_71 = arith.constant 0 : i32
      %dma_wait3A_72 = tpu.memref_slice %arg14[%add3A_45, %dma_wait3A_71] : memref<5128x128xf32, #tpu.memory_space<vmem_shared>> -> memref<80x128xf32, #tpu.memory_space<vmem_shared>>
      %dma_wait3A_73 = arith.constant 0 : i32
      %dma_wait3A_74 = arith.constant 0 : i32
      %dma_wait3A_75 = tpu.memref_slice %arg12[%run_scoped3A_46, %dma_wait3A_73, %dma_wait3A_74] : memref<2x80x128xf32, #tpu.memory_space<vmem>> -> memref<1x80x128xf32, #tpu.memory_space<vmem>>
      %dma_wait3A_76 = tpu.memref_squeeze %dma_wait3A_75 : memref<1x80x128xf32, #tpu.memory_space<vmem>> -> memref<80x128xf32, #tpu.memory_space<vmem>>
      %dma_wait3A_77 = arith.constant 0 : i32
      %dma_wait3A_78 = tpu.memref_slice %arg14[%add3A_45, %dma_wait3A_77] : memref<5128x128xf32, #tpu.memory_space<vmem_shared>> -> memref<80x128xf32, #tpu.memory_space<vmem_shared>>
      tpu.wait_dma2 semaphore(%run_scoped3A_56 : memref<!tpu.dma_semaphore, #tpu.memory_space<semaphore_mem>>) src(%dma_wait3A_78 : memref<80x128xf32, #tpu.memory_space<vmem_shared>>) dst(%dma_wait3A_76 : memref<80x128xf32, #tpu.memory_space<vmem>>)
      tpu.yield
    }) : () -> ()
    %run_scoped3A_47 = arith.constant 0 : i32
    "tpu.region"() ({
      %run_scoped3A_56 = tpu.sem_alloc : memref<!tpu.dma_semaphore, #tpu.memory_space<semaphore_mem>>
      %dma_start3A = arith.constant 0 : i32
      %dma_start3A_57 = arith.constant 0 : i32
      %dma_start3A_58 = tpu.memref_slice %arg12[%run_scoped3A_47, %dma_start3A, %dma_start3A_57] : memref<2x80x128xf32, #tpu.memory_space<vmem>> -> memref<1x80x128xf32, #tpu.memory_space<vmem>>
      %dma_start3A_59 = tpu.memref_squeeze %dma_start3A_58 : memref<1x80x128xf32, #tpu.memory_space<vmem>> -> memref<80x128xf32, #tpu.memory_space<vmem>>
      %dma_start3A_60 = arith.constant 0 : i32
      %dma_start3A_61 = tpu.memref_slice %arg8[%arg0, %add3A_45, %dma_start3A_60] : memref<2x5120x128xf32, #tpu.memory_space<hbm>> -> memref<1x80x128xf32, #tpu.memory_space<hbm>>
      %dma_start3A_62 = tpu.memref_squeeze %dma_start3A_61 : memref<1x80x128xf32, #tpu.memory_space<hbm>> -> memref<80x128xf32, #tpu.memory_space<hbm>>
      %dma_start3A_63 = arith.constant 0 : i32
      %dma_start3A_64 = tpu.memref_slice %arg8[%arg0, %add3A_45, %dma_start3A_63] : memref<2x5120x128xf32, #tpu.memory_space<hbm>> -> memref<1x80x128xf32, #tpu.memory_space<hbm>>
      %dma_start3A_65 = tpu.memref_squeeze %dma_start3A_64 : memref<1x80x128xf32, #tpu.memory_space<hbm>> -> memref<80x128xf32, #tpu.memory_space<hbm>>
      %dma_start3A_66 = arith.constant 0 : i32
      %dma_start3A_67 = arith.constant 0 : i32
      %dma_start3A_68 = tpu.memref_slice %arg12[%run_scoped3A_47, %dma_start3A_66, %dma_start3A_67] : memref<2x80x128xf32, #tpu.memory_space<vmem>> -> memref<1x80x128xf32, #tpu.memory_space<vmem>>
      %dma_start3A_69 = tpu.memref_squeeze %dma_start3A_68 : memref<1x80x128xf32, #tpu.memory_space<vmem>> -> memref<80x128xf32, #tpu.memory_space<vmem>>
      tpu.enqueue_dma source(%dma_start3A_69 : memref<80x128xf32, #tpu.memory_space<vmem>>) target(%dma_start3A_65 : memref<80x128xf32, #tpu.memory_space<hbm>>) target_semaphore(%run_scoped3A_56 : memref<!tpu.dma_semaphore, #tpu.memory_space<semaphore_mem>>)
      %dma_wait3A = arith.constant 0 : i32
      %dma_wait3A_70 = arith.constant 0 : i32
      %dma_wait3A_71 = tpu.memref_slice %arg12[%run_scoped3A_47, %dma_wait3A, %dma_wait3A_70] : memref<2x80x128xf32, #tpu.memory_space<vmem>> -> memref<1x80x128xf32, #tpu.memory_space<vmem>>
      %dma_wait3A_72 = tpu.memref_squeeze %dma_wait3A_71 : memref<1x80x128xf32, #tpu.memory_space<vmem>> -> memref<80x128xf32, #tpu.memory_space<vmem>>
      %dma_wait3A_73 = arith.constant 0 : i32
      %dma_wait3A_74 = tpu.memref_slice %arg8[%arg0, %add3A_45, %dma_wait3A_73] : memref<2x5120x128xf32, #tpu.memory_space<hbm>> -> memref<1x80x128xf32, #tpu.memory_space<hbm>>
      %dma_wait3A_75 = tpu.memref_squeeze %dma_wait3A_74 : memref<1x80x128xf32, #tpu.memory_space<hbm>> -> memref<80x128xf32, #tpu.memory_space<hbm>>
      %dma_wait3A_76 = arith.constant 0 : i32
      %dma_wait3A_77 = tpu.memref_slice %arg8[%arg0, %add3A_45, %dma_wait3A_76] : memref<2x5120x128xf32, #tpu.memory_space<hbm>> -> memref<1x80x128xf32, #tpu.memory_space<hbm>>
      %dma_wait3A_78 = tpu.memref_squeeze %dma_wait3A_77 : memref<1x80x128xf32, #tpu.memory_space<hbm>> -> memref<80x128xf32, #tpu.memory_space<hbm>>
      %dma_wait3A_79 = arith.constant 0 : i32
      %dma_wait3A_80 = arith.constant 0 : i32
      %dma_wait3A_81 = tpu.memref_slice %arg12[%run_scoped3A_47, %dma_wait3A_79, %dma_wait3A_80] : memref<2x80x128xf32, #tpu.memory_space<vmem>> -> memref<1x80x128xf32, #tpu.memory_space<vmem>>
      %dma_wait3A_82 = tpu.memref_squeeze %dma_wait3A_81 : memref<1x80x128xf32, #tpu.memory_space<vmem>> -> memref<80x128xf32, #tpu.memory_space<vmem>>
      tpu.wait_dma2 semaphore(%run_scoped3A_56 : memref<!tpu.dma_semaphore, #tpu.memory_space<semaphore_mem>>) src(%dma_wait3A_82 : memref<80x128xf32, #tpu.memory_space<vmem>>) dst(%dma_wait3A_78 : memref<80x128xf32, #tpu.memory_space<hbm>>)
      tpu.yield
    }) : () -> ()
    %run_scoped3A_48 = arith.constant 0 : i32
    "tpu.region"() ({
      %run_scoped3A_56 = tpu.sem_alloc : memref<!tpu.dma_semaphore, #tpu.memory_space<semaphore_mem>>
      %dma_start3A = arith.constant 0 : i32
      %dma_start3A_57 = arith.constant 0 : i32
      %dma_start3A_58 = tpu.memref_slice %arg13[%run_scoped3A_48, %dma_start3A, %dma_start3A_57] : memref<2x80x32xf32, #tpu.memory_space<vmem>> -> memref<1x80x32xf32, #tpu.memory_space<vmem>>
      %dma_start3A_59 = tpu.memref_squeeze %dma_start3A_58 : memref<1x80x32xf32, #tpu.memory_space<vmem>> -> memref<80x32xf32, #tpu.memory_space<vmem>>
      %dma_start3A_60 = arith.constant 0 : i32
      %dma_start3A_61 = tpu.memref_slice %arg15[%add3A_45, %dma_start3A_60] : memref<5128x32xf32, #tpu.memory_space<vmem_shared>> -> memref<80x32xf32, #tpu.memory_space<vmem_shared>>
      %dma_start3A_62 = arith.constant 0 : i32
      %dma_start3A_63 = arith.constant 0 : i32
      %dma_start3A_64 = tpu.memref_slice %arg13[%run_scoped3A_48, %dma_start3A_62, %dma_start3A_63] : memref<2x80x32xf32, #tpu.memory_space<vmem>> -> memref<1x80x32xf32, #tpu.memory_space<vmem>>
      %dma_start3A_65 = tpu.memref_squeeze %dma_start3A_64 : memref<1x80x32xf32, #tpu.memory_space<vmem>> -> memref<80x32xf32, #tpu.memory_space<vmem>>
      %dma_start3A_66 = arith.constant 0 : i32
      %dma_start3A_67 = tpu.memref_slice %arg15[%add3A_45, %dma_start3A_66] : memref<5128x32xf32, #tpu.memory_space<vmem_shared>> -> memref<80x32xf32, #tpu.memory_space<vmem_shared>>
      tpu.enqueue_dma source(%dma_start3A_67 : memref<80x32xf32, #tpu.memory_space<vmem_shared>>) target(%dma_start3A_65 : memref<80x32xf32, #tpu.memory_space<vmem>>) target_semaphore(%run_scoped3A_56 : memref<!tpu.dma_semaphore, #tpu.memory_space<semaphore_mem>>)
      %dma_wait3A = arith.constant 0 : i32
      %dma_wait3A_68 = arith.constant 0 : i32
      %dma_wait3A_69 = tpu.memref_slice %arg13[%run_scoped3A_48, %dma_wait3A, %dma_wait3A_68] : memref<2x80x32xf32, #tpu.memory_space<vmem>> -> memref<1x80x32xf32, #tpu.memory_space<vmem>>
      %dma_wait3A_70 = tpu.memref_squeeze %dma_wait3A_69 : memref<1x80x32xf32, #tpu.memory_space<vmem>> -> memref<80x32xf32, #tpu.memory_space<vmem>>
      %dma_wait3A_71 = arith.constant 0 : i32
      %dma_wait3A_72 = tpu.memref_slice %arg15[%add3A_45, %dma_wait3A_71] : memref<5128x32xf32, #tpu.memory_space<vmem_shared>> -> memref<80x32xf32, #tpu.memory_space<vmem_shared>>
      %dma_wait3A_73 = arith.constant 0 : i32
      %dma_wait3A_74 = arith.constant 0 : i32
      %dma_wait3A_75 = tpu.memref_slice %arg13[%run_scoped3A_48, %dma_wait3A_73, %dma_wait3A_74] : memref<2x80x32xf32, #tpu.memory_space<vmem>> -> memref<1x80x32xf32, #tpu.memory_space<vmem>>
      %dma_wait3A_76 = tpu.memref_squeeze %dma_wait3A_75 : memref<1x80x32xf32, #tpu.memory_space<vmem>> -> memref<80x32xf32, #tpu.memory_space<vmem>>
      %dma_wait3A_77 = arith.constant 0 : i32
      %dma_wait3A_78 = tpu.memref_slice %arg15[%add3A_45, %dma_wait3A_77] : memref<5128x32xf32, #tpu.memory_space<vmem_shared>> -> memref<80x32xf32, #tpu.memory_space<vmem_shared>>
      tpu.wait_dma2 semaphore(%run_scoped3A_56 : memref<!tpu.dma_semaphore, #tpu.memory_space<semaphore_mem>>) src(%dma_wait3A_78 : memref<80x32xf32, #tpu.memory_space<vmem_shared>>) dst(%dma_wait3A_76 : memref<80x32xf32, #tpu.memory_space<vmem>>)
      tpu.yield
    }) : () -> ()
    %run_scoped3A_49 = arith.constant 0 : i32
    "tpu.region"() ({
      %run_scoped3A_56 = tpu.sem_alloc : memref<!tpu.dma_semaphore, #tpu.memory_space<semaphore_mem>>
      %dma_start3A = arith.constant 0 : i32
      %dma_start3A_57 = arith.constant 0 : i32
      %dma_start3A_58 = tpu.memref_slice %arg13[%run_scoped3A_49, %dma_start3A, %dma_start3A_57] : memref<2x80x32xf32, #tpu.memory_space<vmem>> -> memref<1x80x32xf32, #tpu.memory_space<vmem>>
      %dma_start3A_59 = tpu.memref_squeeze %dma_start3A_58 : memref<1x80x32xf32, #tpu.memory_space<vmem>> -> memref<80x32xf32, #tpu.memory_space<vmem>>
      %dma_start3A_60 = arith.constant 0 : i32
      %dma_start3A_61 = tpu.memref_slice %arg9[%arg0, %add3A_45, %dma_start3A_60] : memref<2x5120x32xf32, #tpu.memory_space<hbm>> -> memref<1x80x32xf32, #tpu.memory_space<hbm>>
      %dma_start3A_62 = tpu.memref_squeeze %dma_start3A_61 : memref<1x80x32xf32, #tpu.memory_space<hbm>> -> memref<80x32xf32, #tpu.memory_space<hbm>>
      %dma_start3A_63 = arith.constant 0 : i32
      %dma_start3A_64 = tpu.memref_slice %arg9[%arg0, %add3A_45, %dma_start3A_63] : memref<2x5120x32xf32, #tpu.memory_space<hbm>> -> memref<1x80x32xf32, #tpu.memory_space<hbm>>
      %dma_start3A_65 = tpu.memref_squeeze %dma_start3A_64 : memref<1x80x32xf32, #tpu.memory_space<hbm>> -> memref<80x32xf32, #tpu.memory_space<hbm>>
      %dma_start3A_66 = arith.constant 0 : i32
      %dma_start3A_67 = arith.constant 0 : i32
      %dma_start3A_68 = tpu.memref_slice %arg13[%run_scoped3A_49, %dma_start3A_66, %dma_start3A_67] : memref<2x80x32xf32, #tpu.memory_space<vmem>> -> memref<1x80x32xf32, #tpu.memory_space<vmem>>
      %dma_start3A_69 = tpu.memref_squeeze %dma_start3A_68 : memref<1x80x32xf32, #tpu.memory_space<vmem>> -> memref<80x32xf32, #tpu.memory_space<vmem>>
      tpu.enqueue_dma source(%dma_start3A_69 : memref<80x32xf32, #tpu.memory_space<vmem>>) target(%dma_start3A_65 : memref<80x32xf32, #tpu.memory_space<hbm>>) target_semaphore(%run_scoped3A_56 : memref<!tpu.dma_semaphore, #tpu.memory_space<semaphore_mem>>)
      %dma_wait3A = arith.constant 0 : i32
      %dma_wait3A_70 = arith.constant 0 : i32
      %dma_wait3A_71 = tpu.memref_slice %arg13[%run_scoped3A_49, %dma_wait3A, %dma_wait3A_70] : memref<2x80x32xf32, #tpu.memory_space<vmem>> -> memref<1x80x32xf32, #tpu.memory_space<vmem>>
      %dma_wait3A_72 = tpu.memref_squeeze %dma_wait3A_71 : memref<1x80x32xf32, #tpu.memory_space<vmem>> -> memref<80x32xf32, #tpu.memory_space<vmem>>
      %dma_wait3A_73 = arith.constant 0 : i32
      %dma_wait3A_74 = tpu.memref_slice %arg9[%arg0, %add3A_45, %dma_wait3A_73] : memref<2x5120x32xf32, #tpu.memory_space<hbm>> -> memref<1x80x32xf32, #tpu.memory_space<hbm>>
      %dma_wait3A_75 = tpu.memref_squeeze %dma_wait3A_74 : memref<1x80x32xf32, #tpu.memory_space<hbm>> -> memref<80x32xf32, #tpu.memory_space<hbm>>
      %dma_wait3A_76 = arith.constant 0 : i32
      %dma_wait3A_77 = tpu.memref_slice %arg9[%arg0, %add3A_45, %dma_wait3A_76] : memref<2x5120x32xf32, #tpu.memory_space<hbm>> -> memref<1x80x32xf32, #tpu.memory_space<hbm>>
      %dma_wait3A_78 = tpu.memref_squeeze %dma_wait3A_77 : memref<1x80x32xf32, #tpu.memory_space<hbm>> -> memref<80x32xf32, #tpu.memory_space<hbm>>
      %dma_wait3A_79 = arith.constant 0 : i32
      %dma_wait3A_80 = arith.constant 0 : i32
      %dma_wait3A_81 = tpu.memref_slice %arg13[%run_scoped3A_49, %dma_wait3A_79, %dma_wait3A_80] : memref<2x80x32xf32, #tpu.memory_space<vmem>> -> memref<1x80x32xf32, #tpu.memory_space<vmem>>
      %dma_wait3A_82 = tpu.memref_squeeze %dma_wait3A_81 : memref<1x80x32xf32, #tpu.memory_space<vmem>> -> memref<80x32xf32, #tpu.memory_space<vmem>>
      tpu.wait_dma2 semaphore(%run_scoped3A_56 : memref<!tpu.dma_semaphore, #tpu.memory_space<semaphore_mem>>) src(%dma_wait3A_82 : memref<80x32xf32, #tpu.memory_space<vmem>>) dst(%dma_wait3A_78 : memref<80x32xf32, #tpu.memory_space<hbm>>)
      tpu.yield
    }) : () -> ()
    %add3A_50 = arith.constant 240 : i32
    %add3A_51 = arith.addi %mul3A_2, %add3A_50 : i32
    %run_scoped3A_52 = arith.constant 0 : i32
    "tpu.region"() ({
      %run_scoped3A_56 = tpu.sem_alloc : memref<!tpu.dma_semaphore, #tpu.memory_space<semaphore_mem>>
      %dma_start3A = arith.constant 0 : i32
      %dma_start3A_57 = arith.constant 0 : i32
      %dma_start3A_58 = tpu.memref_slice %arg12[%run_scoped3A_52, %dma_start3A, %dma_start3A_57] : memref<2x80x128xf32, #tpu.memory_space<vmem>> -> memref<1x80x128xf32, #tpu.memory_space<vmem>>
      %dma_start3A_59 = tpu.memref_squeeze %dma_start3A_58 : memref<1x80x128xf32, #tpu.memory_space<vmem>> -> memref<80x128xf32, #tpu.memory_space<vmem>>
      %dma_start3A_60 = arith.constant 0 : i32
      %dma_start3A_61 = tpu.memref_slice %arg14[%add3A_51, %dma_start3A_60] : memref<5128x128xf32, #tpu.memory_space<vmem_shared>> -> memref<80x128xf32, #tpu.memory_space<vmem_shared>>
      %dma_start3A_62 = arith.constant 0 : i32
      %dma_start3A_63 = arith.constant 0 : i32
      %dma_start3A_64 = tpu.memref_slice %arg12[%run_scoped3A_52, %dma_start3A_62, %dma_start3A_63] : memref<2x80x128xf32, #tpu.memory_space<vmem>> -> memref<1x80x128xf32, #tpu.memory_space<vmem>>
      %dma_start3A_65 = tpu.memref_squeeze %dma_start3A_64 : memref<1x80x128xf32, #tpu.memory_space<vmem>> -> memref<80x128xf32, #tpu.memory_space<vmem>>
      %dma_start3A_66 = arith.constant 0 : i32
      %dma_start3A_67 = tpu.memref_slice %arg14[%add3A_51, %dma_start3A_66] : memref<5128x128xf32, #tpu.memory_space<vmem_shared>> -> memref<80x128xf32, #tpu.memory_space<vmem_shared>>
      tpu.enqueue_dma source(%dma_start3A_67 : memref<80x128xf32, #tpu.memory_space<vmem_shared>>) target(%dma_start3A_65 : memref<80x128xf32, #tpu.memory_space<vmem>>) target_semaphore(%run_scoped3A_56 : memref<!tpu.dma_semaphore, #tpu.memory_space<semaphore_mem>>)
      %dma_wait3A = arith.constant 0 : i32
      %dma_wait3A_68 = arith.constant 0 : i32
      %dma_wait3A_69 = tpu.memref_slice %arg12[%run_scoped3A_52, %dma_wait3A, %dma_wait3A_68] : memref<2x80x128xf32, #tpu.memory_space<vmem>> -> memref<1x80x128xf32, #tpu.memory_space<vmem>>
      %dma_wait3A_70 = tpu.memref_squeeze %dma_wait3A_69 : memref<1x80x128xf32, #tpu.memory_space<vmem>> -> memref<80x128xf32, #tpu.memory_space<vmem>>
      %dma_wait3A_71 = arith.constant 0 : i32
      %dma_wait3A_72 = tpu.memref_slice %arg14[%add3A_51, %dma_wait3A_71] : memref<5128x128xf32, #tpu.memory_space<vmem_shared>> -> memref<80x128xf32, #tpu.memory_space<vmem_shared>>
      %dma_wait3A_73 = arith.constant 0 : i32
      %dma_wait3A_74 = arith.constant 0 : i32
      %dma_wait3A_75 = tpu.memref_slice %arg12[%run_scoped3A_52, %dma_wait3A_73, %dma_wait3A_74] : memref<2x80x128xf32, #tpu.memory_space<vmem>> -> memref<1x80x128xf32, #tpu.memory_space<vmem>>
      %dma_wait3A_76 = tpu.memref_squeeze %dma_wait3A_75 : memref<1x80x128xf32, #tpu.memory_space<vmem>> -> memref<80x128xf32, #tpu.memory_space<vmem>>
      %dma_wait3A_77 = arith.constant 0 : i32
      %dma_wait3A_78 = tpu.memref_slice %arg14[%add3A_51, %dma_wait3A_77] : memref<5128x128xf32, #tpu.memory_space<vmem_shared>> -> memref<80x128xf32, #tpu.memory_space<vmem_shared>>
      tpu.wait_dma2 semaphore(%run_scoped3A_56 : memref<!tpu.dma_semaphore, #tpu.memory_space<semaphore_mem>>) src(%dma_wait3A_78 : memref<80x128xf32, #tpu.memory_space<vmem_shared>>) dst(%dma_wait3A_76 : memref<80x128xf32, #tpu.memory_space<vmem>>)
      tpu.yield
    }) : () -> ()
    %run_scoped3A_53 = arith.constant 0 : i32
    "tpu.region"() ({
      %run_scoped3A_56 = tpu.sem_alloc : memref<!tpu.dma_semaphore, #tpu.memory_space<semaphore_mem>>
      %dma_start3A = arith.constant 0 : i32
      %dma_start3A_57 = arith.constant 0 : i32
      %dma_start3A_58 = tpu.memref_slice %arg12[%run_scoped3A_53, %dma_start3A, %dma_start3A_57] : memref<2x80x128xf32, #tpu.memory_space<vmem>> -> memref<1x80x128xf32, #tpu.memory_space<vmem>>
      %dma_start3A_59 = tpu.memref_squeeze %dma_start3A_58 : memref<1x80x128xf32, #tpu.memory_space<vmem>> -> memref<80x128xf32, #tpu.memory_space<vmem>>
      %dma_start3A_60 = arith.constant 0 : i32
      %dma_start3A_61 = tpu.memref_slice %arg8[%arg0, %add3A_51, %dma_start3A_60] : memref<2x5120x128xf32, #tpu.memory_space<hbm>> -> memref<1x80x128xf32, #tpu.memory_space<hbm>>
      %dma_start3A_62 = tpu.memref_squeeze %dma_start3A_61 : memref<1x80x128xf32, #tpu.memory_space<hbm>> -> memref<80x128xf32, #tpu.memory_space<hbm>>
      %dma_start3A_63 = arith.constant 0 : i32
      %dma_start3A_64 = tpu.memref_slice %arg8[%arg0, %add3A_51, %dma_start3A_63] : memref<2x5120x128xf32, #tpu.memory_space<hbm>> -> memref<1x80x128xf32, #tpu.memory_space<hbm>>
      %dma_start3A_65 = tpu.memref_squeeze %dma_start3A_64 : memref<1x80x128xf32, #tpu.memory_space<hbm>> -> memref<80x128xf32, #tpu.memory_space<hbm>>
      %dma_start3A_66 = arith.constant 0 : i32
      %dma_start3A_67 = arith.constant 0 : i32
      %dma_start3A_68 = tpu.memref_slice %arg12[%run_scoped3A_53, %dma_start3A_66, %dma_start3A_67] : memref<2x80x128xf32, #tpu.memory_space<vmem>> -> memref<1x80x128xf32, #tpu.memory_space<vmem>>
      %dma_start3A_69 = tpu.memref_squeeze %dma_start3A_68 : memref<1x80x128xf32, #tpu.memory_space<vmem>> -> memref<80x128xf32, #tpu.memory_space<vmem>>
      tpu.enqueue_dma source(%dma_start3A_69 : memref<80x128xf32, #tpu.memory_space<vmem>>) target(%dma_start3A_65 : memref<80x128xf32, #tpu.memory_space<hbm>>) target_semaphore(%run_scoped3A_56 : memref<!tpu.dma_semaphore, #tpu.memory_space<semaphore_mem>>)
      %dma_wait3A = arith.constant 0 : i32
      %dma_wait3A_70 = arith.constant 0 : i32
      %dma_wait3A_71 = tpu.memref_slice %arg12[%run_scoped3A_53, %dma_wait3A, %dma_wait3A_70] : memref<2x80x128xf32, #tpu.memory_space<vmem>> -> memref<1x80x128xf32, #tpu.memory_space<vmem>>
      %dma_wait3A_72 = tpu.memref_squeeze %dma_wait3A_71 : memref<1x80x128xf32, #tpu.memory_space<vmem>> -> memref<80x128xf32, #tpu.memory_space<vmem>>
      %dma_wait3A_73 = arith.constant 0 : i32
      %dma_wait3A_74 = tpu.memref_slice %arg8[%arg0, %add3A_51, %dma_wait3A_73] : memref<2x5120x128xf32, #tpu.memory_space<hbm>> -> memref<1x80x128xf32, #tpu.memory_space<hbm>>
      %dma_wait3A_75 = tpu.memref_squeeze %dma_wait3A_74 : memref<1x80x128xf32, #tpu.memory_space<hbm>> -> memref<80x128xf32, #tpu.memory_space<hbm>>
      %dma_wait3A_76 = arith.constant 0 : i32
      %dma_wait3A_77 = tpu.memref_slice %arg8[%arg0, %add3A_51, %dma_wait3A_76] : memref<2x5120x128xf32, #tpu.memory_space<hbm>> -> memref<1x80x128xf32, #tpu.memory_space<hbm>>
      %dma_wait3A_78 = tpu.memref_squeeze %dma_wait3A_77 : memref<1x80x128xf32, #tpu.memory_space<hbm>> -> memref<80x128xf32, #tpu.memory_space<hbm>>
      %dma_wait3A_79 = arith.constant 0 : i32
      %dma_wait3A_80 = arith.constant 0 : i32
      %dma_wait3A_81 = tpu.memref_slice %arg12[%run_scoped3A_53, %dma_wait3A_79, %dma_wait3A_80] : memref<2x80x128xf32, #tpu.memory_space<vmem>> -> memref<1x80x128xf32, #tpu.memory_space<vmem>>
      %dma_wait3A_82 = tpu.memref_squeeze %dma_wait3A_81 : memref<1x80x128xf32, #tpu.memory_space<vmem>> -> memref<80x128xf32, #tpu.memory_space<vmem>>
      tpu.wait_dma2 semaphore(%run_scoped3A_56 : memref<!tpu.dma_semaphore, #tpu.memory_space<semaphore_mem>>) src(%dma_wait3A_82 : memref<80x128xf32, #tpu.memory_space<vmem>>) dst(%dma_wait3A_78 : memref<80x128xf32, #tpu.memory_space<hbm>>)
      tpu.yield
    }) : () -> ()
    %run_scoped3A_54 = arith.constant 0 : i32
    "tpu.region"() ({
      %run_scoped3A_56 = tpu.sem_alloc : memref<!tpu.dma_semaphore, #tpu.memory_space<semaphore_mem>>
      %dma_start3A = arith.constant 0 : i32
      %dma_start3A_57 = arith.constant 0 : i32
      %dma_start3A_58 = tpu.memref_slice %arg13[%run_scoped3A_54, %dma_start3A, %dma_start3A_57] : memref<2x80x32xf32, #tpu.memory_space<vmem>> -> memref<1x80x32xf32, #tpu.memory_space<vmem>>
      %dma_start3A_59 = tpu.memref_squeeze %dma_start3A_58 : memref<1x80x32xf32, #tpu.memory_space<vmem>> -> memref<80x32xf32, #tpu.memory_space<vmem>>
      %dma_start3A_60 = arith.constant 0 : i32
      %dma_start3A_61 = tpu.memref_slice %arg15[%add3A_51, %dma_start3A_60] : memref<5128x32xf32, #tpu.memory_space<vmem_shared>> -> memref<80x32xf32, #tpu.memory_space<vmem_shared>>
      %dma_start3A_62 = arith.constant 0 : i32
      %dma_start3A_63 = arith.constant 0 : i32
      %dma_start3A_64 = tpu.memref_slice %arg13[%run_scoped3A_54, %dma_start3A_62, %dma_start3A_63] : memref<2x80x32xf32, #tpu.memory_space<vmem>> -> memref<1x80x32xf32, #tpu.memory_space<vmem>>
      %dma_start3A_65 = tpu.memref_squeeze %dma_start3A_64 : memref<1x80x32xf32, #tpu.memory_space<vmem>> -> memref<80x32xf32, #tpu.memory_space<vmem>>
      %dma_start3A_66 = arith.constant 0 : i32
      %dma_start3A_67 = tpu.memref_slice %arg15[%add3A_51, %dma_start3A_66] : memref<5128x32xf32, #tpu.memory_space<vmem_shared>> -> memref<80x32xf32, #tpu.memory_space<vmem_shared>>
      tpu.enqueue_dma source(%dma_start3A_67 : memref<80x32xf32, #tpu.memory_space<vmem_shared>>) target(%dma_start3A_65 : memref<80x32xf32, #tpu.memory_space<vmem>>) target_semaphore(%run_scoped3A_56 : memref<!tpu.dma_semaphore, #tpu.memory_space<semaphore_mem>>)
      %dma_wait3A = arith.constant 0 : i32
      %dma_wait3A_68 = arith.constant 0 : i32
      %dma_wait3A_69 = tpu.memref_slice %arg13[%run_scoped3A_54, %dma_wait3A, %dma_wait3A_68] : memref<2x80x32xf32, #tpu.memory_space<vmem>> -> memref<1x80x32xf32, #tpu.memory_space<vmem>>
      %dma_wait3A_70 = tpu.memref_squeeze %dma_wait3A_69 : memref<1x80x32xf32, #tpu.memory_space<vmem>> -> memref<80x32xf32, #tpu.memory_space<vmem>>
      %dma_wait3A_71 = arith.constant 0 : i32
      %dma_wait3A_72 = tpu.memref_slice %arg15[%add3A_51, %dma_wait3A_71] : memref<5128x32xf32, #tpu.memory_space<vmem_shared>> -> memref<80x32xf32, #tpu.memory_space<vmem_shared>>
      %dma_wait3A_73 = arith.constant 0 : i32
      %dma_wait3A_74 = arith.constant 0 : i32
      %dma_wait3A_75 = tpu.memref_slice %arg13[%run_scoped3A_54, %dma_wait3A_73, %dma_wait3A_74] : memref<2x80x32xf32, #tpu.memory_space<vmem>> -> memref<1x80x32xf32, #tpu.memory_space<vmem>>
      %dma_wait3A_76 = tpu.memref_squeeze %dma_wait3A_75 : memref<1x80x32xf32, #tpu.memory_space<vmem>> -> memref<80x32xf32, #tpu.memory_space<vmem>>
      %dma_wait3A_77 = arith.constant 0 : i32
      %dma_wait3A_78 = tpu.memref_slice %arg15[%add3A_51, %dma_wait3A_77] : memref<5128x32xf32, #tpu.memory_space<vmem_shared>> -> memref<80x32xf32, #tpu.memory_space<vmem_shared>>
      tpu.wait_dma2 semaphore(%run_scoped3A_56 : memref<!tpu.dma_semaphore, #tpu.memory_space<semaphore_mem>>) src(%dma_wait3A_78 : memref<80x32xf32, #tpu.memory_space<vmem_shared>>) dst(%dma_wait3A_76 : memref<80x32xf32, #tpu.memory_space<vmem>>)
      tpu.yield
    }) : () -> ()
    %run_scoped3A_55 = arith.constant 0 : i32
    "tpu.region"() ({
      %run_scoped3A_56 = tpu.sem_alloc : memref<!tpu.dma_semaphore, #tpu.memory_space<semaphore_mem>>
      %dma_start3A = arith.constant 0 : i32
      %dma_start3A_57 = arith.constant 0 : i32
      %dma_start3A_58 = tpu.memref_slice %arg13[%run_scoped3A_55, %dma_start3A, %dma_start3A_57] : memref<2x80x32xf32, #tpu.memory_space<vmem>> -> memref<1x80x32xf32, #tpu.memory_space<vmem>>
      %dma_start3A_59 = tpu.memref_squeeze %dma_start3A_58 : memref<1x80x32xf32, #tpu.memory_space<vmem>> -> memref<80x32xf32, #tpu.memory_space<vmem>>
      %dma_start3A_60 = arith.constant 0 : i32
      %dma_start3A_61 = tpu.memref_slice %arg9[%arg0, %add3A_51, %dma_start3A_60] : memref<2x5120x32xf32, #tpu.memory_space<hbm>> -> memref<1x80x32xf32, #tpu.memory_space<hbm>>
      %dma_start3A_62 = tpu.memref_squeeze %dma_start3A_61 : memref<1x80x32xf32, #tpu.memory_space<hbm>> -> memref<80x32xf32, #tpu.memory_space<hbm>>
      %dma_start3A_63 = arith.constant 0 : i32
      %dma_start3A_64 = tpu.memref_slice %arg9[%arg0, %add3A_51, %dma_start3A_63] : memref<2x5120x32xf32, #tpu.memory_space<hbm>> -> memref<1x80x32xf32, #tpu.memory_space<hbm>>
      %dma_start3A_65 = tpu.memref_squeeze %dma_start3A_64 : memref<1x80x32xf32, #tpu.memory_space<hbm>> -> memref<80x32xf32, #tpu.memory_space<hbm>>
      %dma_start3A_66 = arith.constant 0 : i32
      %dma_start3A_67 = arith.constant 0 : i32
      %dma_start3A_68 = tpu.memref_slice %arg13[%run_scoped3A_55, %dma_start3A_66, %dma_start3A_67] : memref<2x80x32xf32, #tpu.memory_space<vmem>> -> memref<1x80x32xf32, #tpu.memory_space<vmem>>
      %dma_start3A_69 = tpu.memref_squeeze %dma_start3A_68 : memref<1x80x32xf32, #tpu.memory_space<vmem>> -> memref<80x32xf32, #tpu.memory_space<vmem>>
      tpu.enqueue_dma source(%dma_start3A_69 : memref<80x32xf32, #tpu.memory_space<vmem>>) target(%dma_start3A_65 : memref<80x32xf32, #tpu.memory_space<hbm>>) target_semaphore(%run_scoped3A_56 : memref<!tpu.dma_semaphore, #tpu.memory_space<semaphore_mem>>)
      %dma_wait3A = arith.constant 0 : i32
      %dma_wait3A_70 = arith.constant 0 : i32
      %dma_wait3A_71 = tpu.memref_slice %arg13[%run_scoped3A_55, %dma_wait3A, %dma_wait3A_70] : memref<2x80x32xf32, #tpu.memory_space<vmem>> -> memref<1x80x32xf32, #tpu.memory_space<vmem>>
      %dma_wait3A_72 = tpu.memref_squeeze %dma_wait3A_71 : memref<1x80x32xf32, #tpu.memory_space<vmem>> -> memref<80x32xf32, #tpu.memory_space<vmem>>
      %dma_wait3A_73 = arith.constant 0 : i32
      %dma_wait3A_74 = tpu.memref_slice %arg9[%arg0, %add3A_51, %dma_wait3A_73] : memref<2x5120x32xf32, #tpu.memory_space<hbm>> -> memref<1x80x32xf32, #tpu.memory_space<hbm>>
      %dma_wait3A_75 = tpu.memref_squeeze %dma_wait3A_74 : memref<1x80x32xf32, #tpu.memory_space<hbm>> -> memref<80x32xf32, #tpu.memory_space<hbm>>
      %dma_wait3A_76 = arith.constant 0 : i32
      %dma_wait3A_77 = tpu.memref_slice %arg9[%arg0, %add3A_51, %dma_wait3A_76] : memref<2x5120x32xf32, #tpu.memory_space<hbm>> -> memref<1x80x32xf32, #tpu.memory_space<hbm>>
      %dma_wait3A_78 = tpu.memref_squeeze %dma_wait3A_77 : memref<1x80x32xf32, #tpu.memory_space<hbm>> -> memref<80x32xf32, #tpu.memory_space<hbm>>
      %dma_wait3A_79 = arith.constant 0 : i32
      %dma_wait3A_80 = arith.constant 0 : i32
      %dma_wait3A_81 = tpu.memref_slice %arg13[%run_scoped3A_55, %dma_wait3A_79, %dma_wait3A_80] : memref<2x80x32xf32, #tpu.memory_space<vmem>> -> memref<1x80x32xf32, #tpu.memory_space<vmem>>
      %dma_wait3A_82 = tpu.memref_squeeze %dma_wait3A_81 : memref<1x80x32xf32, #tpu.memory_space<vmem>> -> memref<80x32xf32, #tpu.memory_space<vmem>>
      tpu.wait_dma2 semaphore(%run_scoped3A_56 : memref<!tpu.dma_semaphore, #tpu.memory_space<semaphore_mem>>) src(%dma_wait3A_82 : memref<80x32xf32, #tpu.memory_space<vmem>>) dst(%dma_wait3A_78 : memref<80x32xf32, #tpu.memory_space<hbm>>)
      tpu.yield
    }) : () -> ()
    return
  }
}

module attributes {stable_mosaic.version = 14 : i64} {
  func.func @_tc_body(%arg0: i32, %arg1: i32, %arg2: memref<640x128xf32, #tpu.memory_space<vmem>>, %arg3: memref<1x640x128xf32, #tpu.memory_space<vmem>>, %arg4: memref<1x640x32xf32, #tpu.memory_space<vmem>>, %arg5: memref<128x128xf32, #tpu.memory_space<vmem>>, %arg6: memref<16x128xf32, #tpu.memory_space<vmem>>, %arg7: memref<128x128xf32, #tpu.memory_space<vmem>>, %arg8: memref<128x128xf32, #tpu.memory_space<vmem>>, %arg9: memref<1x128xf32, #tpu.memory_space<vmem>>, %arg10: memref<1x128xf32, #tpu.memory_space<vmem>>, %arg11: memref<640x128xf32, #tpu.memory_space<vmem>>) attributes {dimension_semantics = [#tpu.dimension_semantics<arbitrary>, #tpu.dimension_semantics<arbitrary>], iteration_bounds = array<i64: 2, 8>, scalar_prefetch = 0 : i64, scratch_operands = 0 : i64, tpu.core_type = #tpu.core_type<tc>, window_params = [{transform_indices = @transform_0, window_bounds = array<i64: 640, 128>}, {transform_indices = @transform_1, window_bounds = array<i64: 1, 640, 128>}, {transform_indices = @transform_2, window_bounds = array<i64: 1, 640, 32>}, {pipeline_mode = #tpu.pipeline_mode<synchronous>, transform_indices = @transform_3, window_bounds = array<i64: 128, 128>}, {pipeline_mode = #tpu.pipeline_mode<synchronous>, transform_indices = @transform_4, window_bounds = array<i64: 16, 128>}, {pipeline_mode = #tpu.pipeline_mode<synchronous>, transform_indices = @transform_5, window_bounds = array<i64: 128, 128>}, {pipeline_mode = #tpu.pipeline_mode<synchronous>, transform_indices = @transform_6, window_bounds = array<i64: 128, 128>}, {pipeline_mode = #tpu.pipeline_mode<synchronous>, transform_indices = @transform_7, window_bounds = array<i64: 1, 128>}, {pipeline_mode = #tpu.pipeline_mode<synchronous>, transform_indices = @transform_8, window_bounds = array<i64: 1, 128>}, {transform_indices = @transform_9, window_bounds = array<i64: 640, 128>}]} {
    %get3A = arith.constant 0 : index
    %get3A_0 = arith.constant 0 : index
    %get3A_1 = arith.constant 0 : index
    %get3A_2 = vector.load %arg3[%get3A, %get3A_0, %get3A_1] : memref<1x640x128xf32, #tpu.memory_space<vmem>>, vector<1x640x128xf32>
    %get3A_3 = vector.shape_cast %get3A_2 : vector<1x640x128xf32> to vector<640x128xf32>
    %get3A_4 = arith.constant 0 : index
    %get3A_5 = arith.constant 0 : index
    %get3A_6 = arith.constant 0 : index
    %get3A_7 = vector.load %arg4[%get3A_4, %get3A_5, %get3A_6] : memref<1x640x32xf32, #tpu.memory_space<vmem>>, vector<1x640x32xf32>
    %get3A_8 = vector.shape_cast %get3A_7 : vector<1x640x32xf32> to vector<640x32xf32>
    %slice3A = vector.extract_strided_slice %get3A_8 {offsets = [0, 0], sizes = [640, 16], strides = [1, 1]} : vector<640x32xf32> to vector<640x16xf32>
    %slice3A_9 = vector.extract_strided_slice %get3A_8 {offsets = [0, 16], sizes = [640, 1], strides = [1, 1]} : vector<640x32xf32> to vector<640x1xf32>
    %get3A_10 = arith.constant 0 : index
    %get3A_11 = arith.constant 0 : index
    %get3A_12 = vector.load %arg5[%get3A_10, %get3A_11] : memref<128x128xf32, #tpu.memory_space<vmem>>, vector<128x128xf32>
    %dot_general3A = arith.constant dense<0.000000e+00> : vector<640x128xf32>
    %dot_general3A_13 = tpu.matmul %get3A_3, %get3A_12, %dot_general3A {dimension_numbers = #tpu.dot_dimension_numbers<[1], [0], [0], [1], [0, 0, 1, 1], [], []>, transpose_lhs_hint = false} : vector<640x128xf32>, vector<128x128xf32>, vector<640x128xf32> -> vector<640x128xf32>
    %get3A_14 = arith.constant 0 : index
    %get3A_15 = arith.constant 0 : index
    %get3A_16 = vector.load %arg6[%get3A_14, %get3A_15] : memref<16x128xf32, #tpu.memory_space<vmem>>, vector<16x128xf32>
    %dot_general3A_17 = arith.constant dense<0.000000e+00> : vector<640x128xf32>
    %dot_general3A_18 = tpu.matmul %slice3A, %get3A_16, %dot_general3A_17 {dimension_numbers = #tpu.dot_dimension_numbers<[1], [0], [0], [1], [0, 0, 1, 1], [], []>, transpose_lhs_hint = false} : vector<640x16xf32>, vector<16x128xf32>, vector<640x128xf32> -> vector<640x128xf32>
    %add3A = arith.addf %dot_general3A_13, %dot_general3A_18 : vector<640x128xf32>
    %get3A_19 = arith.constant 0 : index
    %get3A_20 = arith.constant 0 : index
    %get3A_21 = vector.load %arg9[%get3A_19, %get3A_20] : memref<1x128xf32, #tpu.memory_space<vmem>>, vector<1x128xf32>
    %mul3A = vector.broadcast %slice3A_9 : vector<640x1xf32> to vector<640x128xf32>
    %mul3A_22 = vector.broadcast %get3A_21 : vector<1x128xf32> to vector<640x128xf32>
    %mul3A_23 = arith.mulf %mul3A, %mul3A_22 : vector<640x128xf32>
    %add3A_24 = arith.addf %add3A, %mul3A_23 : vector<640x128xf32>
    %max3A = arith.constant 1.000000e+00 : f32
    %max3A_25 = vector.broadcast %max3A : f32 to vector<640x1xf32>
    %max3A_26 = arith.maximumf %slice3A_9, %max3A_25 : vector<640x1xf32>
    %div3A = vector.broadcast %max3A_26 : vector<640x1xf32> to vector<640x128xf32>
    %div3A_27 = arith.divf %add3A_24, %div3A : vector<640x128xf32>
    %get3A_28 = arith.constant 0 : index
    %get3A_29 = arith.constant 0 : index
    %get3A_30 = vector.load %arg2[%get3A_28, %get3A_29] : memref<640x128xf32, #tpu.memory_space<vmem>>, vector<640x128xf32>
    %get3A_31 = arith.constant 0 : index
    %get3A_32 = arith.constant 0 : index
    %get3A_33 = vector.load %arg7[%get3A_31, %get3A_32] : memref<128x128xf32, #tpu.memory_space<vmem>>, vector<128x128xf32>
    %dot_general3A_34 = arith.constant dense<0.000000e+00> : vector<640x128xf32>
    %dot_general3A_35 = tpu.matmul %get3A_30, %get3A_33, %dot_general3A_34 {dimension_numbers = #tpu.dot_dimension_numbers<[1], [0], [0], [1], [0, 0, 1, 1], [], []>, transpose_lhs_hint = false} : vector<640x128xf32>, vector<128x128xf32>, vector<640x128xf32> -> vector<640x128xf32>
    %get3A_36 = arith.constant 0 : index
    %get3A_37 = arith.constant 0 : index
    %get3A_38 = vector.load %arg8[%get3A_36, %get3A_37] : memref<128x128xf32, #tpu.memory_space<vmem>>, vector<128x128xf32>
    %dot_general3A_39 = arith.constant dense<0.000000e+00> : vector<640x128xf32>
    %dot_general3A_40 = tpu.matmul %div3A_27, %get3A_38, %dot_general3A_39 {dimension_numbers = #tpu.dot_dimension_numbers<[1], [0], [0], [1], [0, 0, 1, 1], [], []>, transpose_lhs_hint = false} : vector<640x128xf32>, vector<128x128xf32>, vector<640x128xf32> -> vector<640x128xf32>
    %add3A_41 = arith.addf %dot_general3A_35, %dot_general3A_40 : vector<640x128xf32>
    %get3A_42 = arith.constant 0 : index
    %get3A_43 = arith.constant 0 : index
    %get3A_44 = vector.load %arg10[%get3A_42, %get3A_43] : memref<1x128xf32, #tpu.memory_space<vmem>>, vector<1x128xf32>
    %add3A_45 = vector.broadcast %get3A_44 : vector<1x128xf32> to vector<640x128xf32>
    %add3A_46 = arith.addf %add3A_41, %add3A_45 : vector<640x128xf32>
    %max3A_47 = arith.constant 0.000000e+00 : f32
    %max3A_48 = vector.broadcast %max3A_47 : f32 to vector<640x128xf32>
    %max3A_49 = arith.maximumf %add3A_46, %max3A_48 : vector<640x128xf32>
    %swap3A = arith.constant 0 : index
    %swap3A_50 = arith.constant 0 : index
    %swap3A_51 = vector.load %arg11[%swap3A, %swap3A_50] : memref<640x128xf32, #tpu.memory_space<vmem>>, vector<640x128xf32>
    tpu.vector_store %arg11[%swap3A, %swap3A_50], %max3A_49 {strides = array<i32>} : memref<640x128xf32, #tpu.memory_space<vmem>>, vector<640x128xf32>,
    return
  }
  func.func @transform_0(%arg0: i32, %arg1: i32) -> (i32, i32) {
    %mul3A = arith.constant 8 : i32
    %mul3A_0 = arith.muli %arg0, %mul3A : i32
    %add3A = arith.addi %mul3A_0, %arg1 : i32
    %c0_i32 = arith.constant 0 : i32
    %c0_i32_1 = arith.constant 0 : i32
    return %add3A, %c0_i32 : i32, i32
  }
  func.func @transform_1(%arg0: i32, %arg1: i32) -> (i32, i32, i32) {
    %c0_i32 = arith.constant 0 : i32
    %c0_i32_0 = arith.constant 0 : i32
    return %arg0, %arg1, %c0_i32 : i32, i32, i32
  }
  func.func @transform_2(%arg0: i32, %arg1: i32) -> (i32, i32, i32) {
    %c0_i32 = arith.constant 0 : i32
    %c0_i32_0 = arith.constant 0 : i32
    return %arg0, %arg1, %c0_i32 : i32, i32, i32
  }
  func.func @transform_3(%arg0: i32, %arg1: i32) -> (i32, i32) {
    %c0_i32 = arith.constant 0 : i32
    %c0_i32_0 = arith.constant 0 : i32
    %c0_i32_1 = arith.constant 0 : i32
    return %c0_i32, %c0_i32_0 : i32, i32
  }
  func.func @transform_4(%arg0: i32, %arg1: i32) -> (i32, i32) {
    %c0_i32 = arith.constant 0 : i32
    %c0_i32_0 = arith.constant 0 : i32
    %c0_i32_1 = arith.constant 0 : i32
    return %c0_i32, %c0_i32_0 : i32, i32
  }
  func.func @transform_5(%arg0: i32, %arg1: i32) -> (i32, i32) {
    %c0_i32 = arith.constant 0 : i32
    %c0_i32_0 = arith.constant 0 : i32
    %c0_i32_1 = arith.constant 0 : i32
    return %c0_i32, %c0_i32_0 : i32, i32
  }
  func.func @transform_6(%arg0: i32, %arg1: i32) -> (i32, i32) {
    %c0_i32 = arith.constant 0 : i32
    %c0_i32_0 = arith.constant 0 : i32
    %c0_i32_1 = arith.constant 0 : i32
    return %c0_i32, %c0_i32_0 : i32, i32
  }
  func.func @transform_7(%arg0: i32, %arg1: i32) -> (i32, i32) {
    %c0_i32 = arith.constant 0 : i32
    %c0_i32_0 = arith.constant 0 : i32
    %c0_i32_1 = arith.constant 0 : i32
    return %c0_i32, %c0_i32_0 : i32, i32
  }
  func.func @transform_8(%arg0: i32, %arg1: i32) -> (i32, i32) {
    %c0_i32 = arith.constant 0 : i32
    %c0_i32_0 = arith.constant 0 : i32
    %c0_i32_1 = arith.constant 0 : i32
    return %c0_i32, %c0_i32_0 : i32, i32
  }
  func.func @transform_9(%arg0: i32, %arg1: i32) -> (i32, i32) {
    %mul3A = arith.constant 8 : i32
    %mul3A_0 = arith.muli %arg0, %mul3A : i32
    %add3A = arith.addi %mul3A_0, %arg1 : i32
    %c0_i32 = arith.constant 0 : i32
    %c0_i32_1 = arith.constant 0 : i32
    return %add3A, %c0_i32 : i32, i32
  }
}

</mosaic_0001>

<sc_bundles>
// kernel: kernel.4.cloned.1.call-start
scs
__scs_entry_jumppad:
0x0: {  	(pc) =	sbr.rel $0x88, $3  }
0x1: {  	(tag) =	ssettag $0x0;
	lr =	simm.s32 $0x1  }
0x2: {  	[smem:$0x3F9A] =	sst lr;
	_ =	strace $0xD0000000  }
0x3: {  	_ = 	snop  }
0x4: {  	_ = 	snop  }
0x5: {  	_ = 	snop  }
0x6: {  	_ = 	snop  }
0x7: {  	_ = 	snop  }
__scs_overlays_trampoline_lowered:
0x8: {  	[smem:$0x3FA9] =	sst s0  }
0x9: {  	[smem:$0x3FAA] =	sst s1  }
0xa: {  	[smem:$0x3FAB] =	sst s2  }
0xb: {  	[smem:$0x3FAC] =	sst s3  }
0xc: {  	[smem:$0x3FAD] =	sst s4  }
0xd: {  	[smem:$0x3FAE] =	sst s5  }
0xe: {  	[smem:$0x3FAF] =	sst s6  }
0xf: {  	[smem:$0x3FB0] =	sst s7  }
0x10: {  	[smem:$0x3FB1] =	sst s8  }
0x11: {  	[smem:$0x3FB2] =	sst s9;
	s0 =	simm.s32 @!p0 $0x0  }
0x12: {  	s1 =	sld [smem:$0x3F98];
	s0 =	simm.s32 @p0 $0x1  }
0x13: {  	[smem:$0x3FB3] =	sst s0;
	s0 =	simm.s32 @!p1 $0x0  }
0x14: {  	s2 =	sld [smem:$0x3F97];
	s0 =	simm.s32 @p1 $0x1  }
0x15: {  	[smem:$0x3FB4] =	sst s0;
	s0 =	simm.s32 @!p2 $0x0  }
0x16: {  	s3 =	sld [smem:$0x3FDB];
	s0 =	simm.s32 @p2 $0x1  }
0x17: {  	s4 =	simm.s32 $0x1BF5;
	[smem:$0x3FB6] =	sst s0  }
0x18: {  	s0 =	sld [smem:$0x3F99];
	_ =	swait.ge [sflag:s4], $0x0  }
0x19: {  	s7 =	sld [smem:$0x3F9A]  }
0x1a: {  	s8 =	sadd.s32 $0xFFFFE003, lr  }
0x1b: {  	s9 =	sadd.s32 $0xFFFFFEF7, lr;
	s5 =	simm.s32 $0xFFFFFFFF;
	p2 =	slt.u32 s8, $0xFFFFF086  }
0x1c: {  	p1 =	slt.u32 s9, $0xF7A;
	s5 =	simm.s32 @!p2 $0x0  }
0x1d: {  	s5 =	simm.s32 @p1 $0x1;
	p0 =	seq.s32 s7, s2  }
0x1e: {  	s7 =	smul.u32 @!p0 $0xF7A, s2;
	p2 =	seq.s32 @!p0 s5, $0x0  }
0x1f: {  	s9 =	smul.u32 $0xF7A, s1;
	s8 =	simm.s32 @!p0 $0x1BF5;
	p2 =	por !p2, p0  }
0x20: {  	[sflag:s8] =	ssyncset.s32 @!p0 $0xFFFFF086;
	s6 =	sadd.s32 @!p0 s3, s7;
	s7 =	simm.s32 @!p0 $0x108  }
0x21: {  	s3 =	sadd.s32 s3, s9;
	s6 =	sadd.s32 @!p0 $0x88, s6;
	s7 =	simm.s32 @p2 $0x1082  }
0x22: {  	[simem:s7], [sflag:s8] =	dma.local @!p0 [hbm:s6], $0xF7A  }
0x23: {  	s9 =	sor.u32 $0xD0000000, s2;
	s6 =	simm.s32 $0x108;
	_ =	swait.ge @!p0 [sflag:s8], $0x0  }
0x24: {  	s3 =	sadd.s32 $0x88, s3;
	s6 =	simm.s32 @!p1 $0x1082;
	[sflag:s4] =	ssyncset.s32 $0xFFFFF086  }
0x25: {  	[simem:s6], [sflag:s4] =	dma.local [hbm:s3], $0xF7A  }
0x26: {  	[smem:$0x3F9A] =	sst s1;
	(tag) =	ssettag s2;
	_ =	strace s9  }
0x27: {  	s1 =	sld [smem:$0x3FAA]  }
0x28: {  	s2 =	sld [smem:$0x3FAB]  }
0x29: {  	s4 =	sld [smem:$0x3FAD]  }
0x2a: {  	p0 =	seq.s32 s5, $0x0;
	s5 =	sld [smem:$0x3FAE]  }
0x2b: {  	s6 =	sld [smem:$0x3FAF]  }
0x2c: {  	s7 =	sld [smem:$0x3FB0]  }
0x2d: {  	s3 =	simm.s32 $0x108;
	s8 =	sld [smem:$0x3FB1]  }
0x2e: {  	s3 =	simm.s32 @!p0 $0x1082;
	s9 =	sld [smem:$0x3FB2]  }
0x2f: {  	lr =	sadd.s32 s0, s3;
	s0 =	sld [smem:$0x3FA9]  }
0x30: {  	s3 =	sld [smem:$0x3FAC]  }
0x31: {  	[smem:$0x3FB5] =	sst s10  }
0x32: {  	s10 =	sld [smem:$0x3FB3];
	_ =	sdelay $0x3  }
0x33: {  	p0 =	seq.s32 s10, $0x1;
	s10 =	sld [smem:$0x3FB5];
	_ =	sdelay $0x3  }
0x34: {  	[smem:$0x3FB5] =	sst s10  }
0x35: {  	s10 =	sld [smem:$0x3FB4];
	_ =	sdelay $0x3  }
0x36: {  	p1 =	seq.s32 s10, $0x1;
	s10 =	sld [smem:$0x3FB5];
	_ =	sdelay $0x3  }
0x37: {  	[smem:$0x3FB5] =	sst s10  }
0x38: {  	s10 =	sld [smem:$0x3FB6]  }
0x39: {  	_ = 	snop;
	(pc) =	sbr.ind lr, $3  }
0x3a: {  	_ = 	snop  }
0x3b: {  	_ = 	snop  }
0x3c: {  	p2 =	seq.s32 s10, $0x1;
	s10 =	sld [smem:$0x3FB5]  }
0x3d: {  	_ =	shalt  }
0x3e: {  	_ =	shalt  }
0x3f: {  	_ =	shalt  }
0x40: {  	_ =	shalt  }
0x41: {  	_ =	shalt  }
0x42: {  	_ =	shalt  }
0x43: {  	_ =	shalt  }
0x44: {  	_ =	shalt  }
0x45: {  	_ =	shalt  }
0x46: {  	_ =	shalt  }
0x47: {  	_ =	shalt  }
0x48: {  	_ =	shalt  }
0x49: {  	_ =	shalt  }
0x4a: {  	_ =	shalt  }
0x4b: {  	_ =	shalt  }
0x4c: {  	_ =	shalt  }
0x4d: {  	_ =	shalt  }
0x4e: {  	_ =	shalt  }
0x4f: {  	_ =	shalt  }
0x50: {  	_ =	shalt  }
0x51: {  	_ =	shalt  }
0x52: {  	_ =	shalt  }
0x53: {  	_ =	shalt  }
0x54: {  	_ =	shalt  }
0x55: {  	_ =	shalt  }
0x56: {  	_ =	shalt  }
0x57: {  	_ =	shalt  }
0x58: {  	_ =	shalt  }
0x59: {  	_ =	shalt  }
0x5a: {  	_ =	shalt  }
0x5b: {  	_ =	shalt  }
0x5c: {  	_ =	shalt  }
0x5d: {  	_ =	shalt  }
0x5e: {  	_ =	shalt  }
0x5f: {  	_ =	shalt  }
0x60: {  	_ =	shalt  }
0x61: {  	_ =	shalt  }
0x62: {  	_ =	shalt  }
0x63: {  	_ =	shalt  }
0x64: {  	_ =	shalt  }
0x65: {  	_ =	shalt  }
0x66: {  	_ =	shalt  }
0x67: {  	_ =	shalt  }
0x68: {  	_ =	shalt  }
0x69: {  	_ =	shalt  }
0x6a: {  	_ =	shalt  }
0x6b: {  	_ =	shalt  }
0x6c: {  	_ =	shalt  }
0x6d: {  	_ =	shalt  }
0x6e: {  	_ =	shalt  }
0x6f: {  	_ =	shalt  }
0x70: {  	_ =	shalt  }
0x71: {  	_ =	shalt  }
0x72: {  	_ =	shalt  }
0x73: {  	_ =	shalt  }
0x74: {  	_ =	shalt  }
0x75: {  	_ =	shalt  }
0x76: {  	_ =	shalt  }
0x77: {  	_ =	shalt  }
0x78: {  	_ =	shalt  }
0x79: {  	_ =	shalt  }
0x7a: {  	_ =	shalt  }
0x7b: {  	_ =	shalt  }
0x7c: {  	_ =	shalt  }
0x7d: {  	_ =	shalt  }
0x7e: {  	_ =	shalt  }
0x7f: {  	_ =	shalt  }
0x80: {  	_ =	shalt  }
0x81: {  	_ =	shalt  }
0x82: {  	_ =	shalt  }
0x83: {  	_ =	shalt  }
0x84: {  	_ =	shalt  }
0x85: {  	_ =	shalt  }
0x86: {  	_ =	shalt  }
0x87: {  	_ =	shalt  }
.Lfunc_end0:
.L_simem_size_0:
called_computation.1_lowered:
.L_overlay_start_0:
0x88: {  	s2 =	sld [smem:$0x3FD9]  }
0x89: {  	s3 =	sld [smem:$0x3FFE];
	_ =	sdelay $0x1  }
0x8a: {  	s1 =	srdreg.scid  }
0x8b: {  	s0 =	sand.u32 $0x1, s1  }
0x8c: {  	s17 =	sshll.u32 s0, $0xA;
	s2 =	sadd.s32 s3, s2  }
0x8d: {  	s2 =	sadd.s32 s2, s17  }
0x8e: {  	[smem:$0x3FC1] =	sst s2  }
0x8f: {  	_ = 	snop  }
0x90: {  	s2 =	sld [smem:$0x3FC9]  }
0x91: {  	s18 =	sld [smem:$0x3FD0];
	(tm) =	ssettm $0x1  }
0x92: {  	s4 =	sld [smem:$0x3FFB];
	_ =	sdelay $0x3  }
0x93: {  	_ =	strace s4  }
0x94: {  	s4 =	sld [smem:$0x3FFC];
	_ =	sdelay $0x3  }
0x95: {  	_ =	strace s4  }
0x96: {  	s4 =	sld [smem:$0x3FFD];
	_ =	sdelay $0x3  }
0x97: {  	_ =	strace s4  }
0x98: {  	_ =	strace $0x8FFFFFFF  }
0x99: {  	s19 =	sld [smem:$0x3FDB];
	_ =	sdelay $0x1  }
0x9a: {  	s5 =	simm.s32 $_scs_section_size  }
0x9b: {  	s6 =	simm.s32 $_size__tile_overlayer_lowered;
	s7 =	simm.s32 $_tile_overlayer_lowered  }
0x9c: {  	s22 =	simm.s32 $0x1BFF;
	s21 =	sshll.u32 s7, $0x1;
	s4 =	sadd.s32 s5, s19  }
0x9d: {  	s8 =	simm.s32 $0x0;
	s20 =	sshll.u32 s6, $0x1;
	s6 =	sadd.s32 s21, s4  }
0x9e: {  	[timem:s8], [sflag:s22] =	dma.local [hbm:s6], s20  }
0x9f: {  	_ =	swait.ge [sflag:s22], s20  }
0xa0: {  	s5 =	ssub.s32 $0x0, s20;
	[sflag:s22] =	ssyncset.done $0x0  }
0xa1: {  	[sflag:s22] =	ssyncadd.s32 s5;
	_ =	sdelay $0x1  }
0xa2: {  	s23 =	simm.s32 $0x1B8B  }
0xa3: {  	_ =	swait.ge [sflag:s23], $0x1  }
0xa4: {  	[sflag:s23] =	ssyncset.done $0x0  }
0xa5: {  	s25 =	simm.s32 $0x1B8E;
	s24 =	sld [smem:$0x3FFE];
	[sflag:s23] =	ssyncadd.s32 $0xFFFFFFFF  }
0xa6: {  	s26 =	simm.s32 $execute0_lowered;
	[smem:$0x3FD2] =	sst s25  }
0xa7: {  	s6 =	sshll.u32 s26, $0x1;
	_ =	strace $0x80000049;
	[dreg:$0x1] =	wrdreg $0xFFFFFFFF  }
0xa8: {  	s28 =	simm.s32 $_size_execute0_lowered;
	s4 =	sadd.s32 s4, s6;
	[dreg:$0x0] =	wrdreg $0x0  }
0xa9: {  	s6 =	sshll.u32 s28, $0x1;
	[dreg:$0x2] =	wrdreg s4  }
0xaa: {  	[dreg:$0x3] =	wrdreg s6  }
0xab: {  	[dreg:$0x4] =	wrdreg $0xC0  }
0xac: {  	_ =	task [dreg:s8], $0x5FFFF  }
0xad: {  	[dreg:$0x1] =	wrdreg $0xFFFFFFFF  }
0xae: {  	[dreg:$0x0] =	wrdreg $0x60  }
0xaf: {  	[dreg:$0x2] =	wrdreg s2  }
0xb0: {  	[dreg:$0x3] =	wrdreg s24  }
0xb1: {  	[dreg:$0x4] =	wrdreg s18  }
0xb2: {  	[dreg:$0x5] =	wrdreg $0x65400  }
0xb3: {  	[dreg:$0x6] =	wrdreg $0x105800  }
0xb4: {  	[dreg:$0x7] =	wrdreg $0x9  }
0xb5: {  	_ =	task.clear_ibuf [dreg:s8], $0x8FFFF;
	_ =	strace $0x90000049  }
0xb6: {  	s29 =	simm.s32 $0x9;
	_ =	strace $0x8000004B  }
0xb7: {  	_ =	swait.ge [sflag:s29], $0x1  }
0xb8: {  	[sflag:s29] =	ssyncadd.s32 $0xFFFFFFFF  }
0xb9: {  	_ =	strace $0x9000004B  }
0xba: {  	_ =	sfence  }
0xbb: {  	s30 =	sld [smem:$0x0];
	_ =	sdelay $0x2  }
0xbc: {  	s31 =	sshll.u32 s1, $0xD;
	s1 =	sshrl.u32 s1, $0x2  }
0xbd: {  	s3 =	sand.u32 $0x4000, s31;
	s1 =	sadd.s32 s1, s30  }
0xbe: {  	s0 =	sor.u32 s3, s0;
	s1 =	sshll.u32 s1, $0x11  }
0xbf: {  	s0 =	sor.u32 s1, s0  }
0xc0: {  	s0 =	sadd.s32 $0x8F2B, s0  }
0xc1: {  	[sflag:s0] =	ssyncadd.remote.s32 $0x1  }
0xc2: {  	_ =	sfence.sel $0xFFFF  }
0xc3: {  	[dreg:$0x0] =	wrdreg $0xFFFFFFFF;
	(pc) =	sbr.abs _section_cstart, $3  }
0xc4: {  	[dreg:$0x1] =	wrdreg $0xFFFFFFFF  }
0xc5: {  	_ =	task.clear_ibuf [dreg:s8], $0x2FFFF;
	_ =	strace $0x9FFFFFFF  }
0xc6: {  	(tm) =	ssettm $0x7FFFFFFF  }
0xc7: {  	_ =	shalt  }
tec
execute0_lowered:
.L_overlay_start_1:
0x0: {  	(tag) =	ssettag $0x1  }
0x1: {  	s0 =	rddreg [dreg:$0x0]  }
0x2: {  	s1 =	rddreg [dreg:$0x1]  }
0x3: {  	s4 =	rddreg [dreg:$0x2];
	s16 =	stileid.u32  }
0x4: {  	s2 =	rddreg [dreg:$0x3];
	s6 =	smul.u32 $0x9C4, s16  }
0x5: {  	s3 =	simm.s32 $0x0;
	s5 =	srdreg.scid;
	s9 =	smul.u32 $0x140, s16  }
0x6: {  	s29 =	simm.s32 $0x140;
	s30 =	simm.s32 $0x1;
	s17 =	smul.u32 $0xA000, s16  }
0x7: {  	s31 =	simm.s32 $0x5140;
	[smem:$0x7FF] =	sst s3;
	s18 =	smul.u32 $0x2800, s16  }
0x8: {  	s5 =	sand.u32 $0x1, s5;
	s7 =	sadd.s32 $0x144C00, s1;
	s15 =	smul.u32 $0x4E20, s16  }
0x9: {  	s11 =	sadd.s32 $0x13AC00, s1;
	s8 =	ssub.s32 $0x2, s5;
	s13 =	smul.u32 $0x28000, s5  }
0xa: {  	s10 =	sshrl.u32 s8, $0x1;
	s25 =	sadd.s32 $0x50, s9;
	s12 =	sadd.s32 $0xA0, s9  }
0xb: {  	s9 =	sadd.s32 $0xF0, s9;
	s8 =	ssub.s32 s8, s10;
	s19 =	sshll.u32 s25, $0x7  }
0xc: {  	s20 =	sshll.u32 s25, $0x5;
	s10 =	smul.u32 $0xA0000, s5;
	s21 =	sshll.u32 s12, $0x7  }
0xd: {  	s22 =	sshll.u32 s12, $0x5;
	s23 =	sshll.u32 s9, $0x7;
	s14 =	sadd.s32 s18, s13  }
0xe: {  	s9 =	sshll.u32 s9, $0x5;
	s5 =	smul.u32 $0x4E200, s5;
	s14 =	sshrl.u32 s14, $0x3  }
0xf: {  	s26 =	sadd.s32 s17, s10;
	s14 =	sadd.s32 s11, s14;
	s24 =	sadd.s32 s10, s19  }
0x10: {  	s25 =	sadd.s32 s10, s21;
	s10 =	sadd.s32 s10, s23;
	s5 =	sadd.s32 s15, s5  }
0x11: {  	s15 =	sadd.s32 s13, s22;
	s17 =	sadd.s32 s17, s2;
	s19 =	sadd.s32 s19, s2  }
0x12: {  	s21 =	sadd.s32 s21, s2;
	s23 =	sadd.s32 s23, s2;
	s12 =	sshrl.u32 s26, $0x3  }
0x13: {  	[dreg:$0x7] =	wrdreg s14;
	s14 =	sshrl.u32 s25, $0x3;
	s10 =	sshrl.u32 s10, $0x3  }
0x14: {  	s5 =	sshrl.u32 s5, $0x3;
	s12 =	sadd.s32 s7, s12;
	s26 =	sadd.s32 s7, s14  }
0x15: {  	s14 =	sadd.s32 s13, s20;
	[dreg:$0x6] =	wrdreg s12;
	s12 =	sshrl.u32 s24, $0x3  }
0x16: {  	[dreg:$0x9] =	wrdreg s26;
	s24 =	sadd.s32 s13, s9;
	s13 =	sadd.s32 s6, s1  }
0x17: {  	s12 =	sadd.s32 s7, s12;
	s7 =	sadd.s32 s7, s10;
	s10 =	sshrl.u32 s15, $0x3  }
0x18: {  	s26 =	sshrl.u32 s24, $0x3;
	s28 =	sadd.s32 $0x61C400, s13;
	[dreg:$0x8] =	wrdreg s12  }
0x19: {  	[dreg:$0xa] =	wrdreg s7;
	s7 =	sshrl.u32 s14, $0x3;
	s25 =	sadd.s32 s11, s10  }
0x1a: {  	s12 =	rddreg [dreg:$0x4];
	s10 =	smul.u32 $0x13880, s16;
	s14 =	sadd.s32 s5, s4  }
0x1b: {  	s16 =	sadd.s32 $0x13AA00, s1;
	s7 =	sadd.s32 s11, s7;
	[dreg:$0xc] =	wrdreg s25  }
0x1c: {  	s18 =	sadd.s32 s18, s12;
	s20 =	sadd.s32 s20, s12;
	s22 =	sadd.s32 s22, s12  }
0x1d: {  	s24 =	sadd.s32 s9, s12;
	s25 =	smax.u32 s8, $0x1;
	[dreg:$0xb] =	wrdreg s7  }
0x1e: {  	s7 =	sadd.s32 s11, s26;
	s15 =	sadd.s32 s10, s1;
	s26 =	sadd.s32 $0x13A400, s1  }
0x1f: {  	s11 =	simm.s32 $0x50;
	s1 =	simm.s32 $0x0;
	[dreg:$0xd] =	wrdreg s7  }
0x20: {  	_ =	strace $0x8000004A;
	[dreg:$0xe] =	wrdreg s26;
	s26 =	sadd.s32 $0x1C00, s15  }
.LBB2_1:
0x21: {  	s4 =	rddreg [dreg:$0xe]  }
0x22: {  	[tilespmem:s29], [sflag:$0x1] =	stream.linear.gather [hbm4b:s4+s3], $0x2800, $0x38;
	[tilespmem:$0x12D90] =	vst v63  }
0x23: {  	_ =	swait.ge [sflag:s30], $0x2800  }
0x24: {  	[sflag:s30] =	ssyncset.done $0x0  }
0x25: {  	[sflag:s30] =	ssyncadd.s32 $0xFFFFD800  }
0x26: {  	[tilespmem:s31], [sflag:$0x1] =	stream.linear.gather [hbm4b:s16+s3], $0xA00, $0x38;
	[tilespmem:$0x12D90] =	vst v63  }
0x27: {  	_ =	swait.ge [sflag:s30], $0xA00  }
0x28: {  	[sflag:s30] =	ssyncset.done $0x0  }
0x29: {  	[sflag:s30] =	ssyncadd.s32 $0xFFFFF600  }
0x2a: {  	[spmem:s17] =	stream.linear.scatter [tilespmem:s29], [sflag:$0x1], $0x2800, $0x38;
	[tilespmem:$0x12D90] =	vst v63  }
0x2b: {  	_ =	swait.ge [sflag:s30], $0x2800  }
0x2c: {  	[sflag:s30] =	ssyncset.done $0x0  }
0x2d: {  	[sflag:s30] =	ssyncadd.s32 $0xFFFFD800  }
0x2e: {  	[spmem:s18] =	stream.linear.scatter [tilespmem:s31], [sflag:$0x1], $0xA00, $0x38;
	[tilespmem:$0x12D90] =	vst v63  }
0x2f: {  	_ =	swait.ge [sflag:s30], $0xA00  }
0x30: {  	[sflag:s30] =	ssyncset.done $0x0  }
0x31: {  	[sflag:s30] =	ssyncadd.s32 $0xFFFFF600  }
0x32: {  	[spmem:s19] =	stream.linear.scatter [tilespmem:s29], [sflag:$0x1], $0x2800, $0x38;
	[tilespmem:$0x12D90] =	vst v63  }
0x33: {  	_ =	swait.ge [sflag:s30], $0x2800  }
0x34: {  	[sflag:s30] =	ssyncset.done $0x0  }
0x35: {  	[sflag:s30] =	ssyncadd.s32 $0xFFFFD800  }
0x36: {  	[spmem:s20] =	stream.linear.scatter [tilespmem:s31], [sflag:$0x1], $0xA00, $0x38;
	[tilespmem:$0x12D90] =	vst v63  }
0x37: {  	_ =	swait.ge [sflag:s30], $0xA00  }
0x38: {  	[sflag:s30] =	ssyncset.done $0x0  }
0x39: {  	[sflag:s30] =	ssyncadd.s32 $0xFFFFF600  }
0x3a: {  	[spmem:s21] =	stream.linear.scatter [tilespmem:s29], [sflag:$0x1], $0x2800, $0x38;
	[tilespmem:$0x12D90] =	vst v63  }
0x3b: {  	_ =	swait.ge [sflag:s30], $0x2800  }
0x3c: {  	[sflag:s30] =	ssyncset.done $0x0  }
0x3d: {  	[sflag:s30] =	ssyncadd.s32 $0xFFFFD800  }
0x3e: {  	[spmem:s22] =	stream.linear.scatter [tilespmem:s31], [sflag:$0x1], $0xA00, $0x38;
	[tilespmem:$0x12D90] =	vst v63  }
0x3f: {  	_ =	swait.ge [sflag:s30], $0xA00  }
0x40: {  	[sflag:s30] =	ssyncset.done $0x0  }
0x41: {  	[sflag:s30] =	ssyncadd.s32 $0xFFFFF600  }
0x42: {  	[spmem:s23] =	stream.linear.scatter [tilespmem:s29], [sflag:$0x1], $0x2800, $0x38;
	[tilespmem:$0x12D90] =	vst v63  }
0x43: {  	_ =	swait.ge [sflag:s30], $0x2800  }
0x44: {  	[sflag:s30] =	ssyncset.done $0x0  }
0x45: {  	[sflag:s30] =	ssyncadd.s32 $0xFFFFD800  }
0x46: {  	[spmem:s24] =	stream.linear.scatter [tilespmem:s31], [sflag:$0x1], $0xA00, $0x38;
	[tilespmem:$0x12D90] =	vst v63  }
0x47: {  	_ =	swait.ge [sflag:s30], $0xA00  }
0x48: {  	s13 =	sand.u32 $0x1, s3;
	[sflag:s30] =	ssyncset.done $0x0  }
0x49: {  	s5 =	smul.u32 $0x50, s13;
	[sflag:s30] =	ssyncadd.s32 $0xFFFFF600  }
0x4a: {  	[bflag:$0x0] =	sbarrier.arrive $0xFFFF  }
0x4b: {  	[tilespmem:s5], [sflag:$0x1] =	stream.linear.gather [hbm4b:s28+s3], $0x50, $0x38;
	[tilespmem:$0x12D90] =	vst v63  }
0x4c: {  	_ =	swait.ge [sflag:s30], $0x50  }
0x4d: {  	[sflag:s30] =	ssyncset.done $0x0  }
0x4e: {  	s7 =	smul.u32 $0xA000, s13;
	s6 =	sadd.s32 $0xA0, s5;
	[sflag:s30] =	ssyncadd.s32 $0xFFFFFFB0  }
0x4f: {  	[tilespmem:s6], [sflag:$0x1] =	stream.linear.gather [hbm4b:s14+s3], $0x50, $0x38;
	[tilespmem:$0x12D90] =	vst v63  }
0x50: {  	_ =	swait.ge [sflag:s30], $0x50  }
0x51: {  	s7 =	sshrl.u32 s7, $0x2;
	[sflag:s30] =	ssyncset.done $0x0  }
0x52: {  	s4 =	smul.u32 $0x2800, s13;
	s7 =	sor.u32 $0x140, s7;
	[sflag:s30] =	ssyncadd.s32 $0xFFFFFFB0  }
0x53: {  	[tilespmem:s7], [sflag:$0x1] =	stream.indirect.gather [hbm4b:s0+s11], $0x80, s5, s11, $0xb8;
	[tilespmem:$0x12D90] =	vst v63  }
0x54: {  	_ =	swait.ge [sflag:s30], $0x2800  }
0x55: {  	s4 =	sshrl.u32 s4, $0x2;
	[sflag:s30] =	ssyncset.done $0x0  }
0x56: {  	s4 =	sor.u32 $0x5140, s4;
	[sflag:s30] =	ssyncadd.s32 $0xFFFFD800  }
0x57: {  	[tilespmem:s4], [sflag:$0x1] =	stream.linear.gather [hbm4b:s26+s3], $0xA00, $0x38;
	[tilespmem:$0x12D90] =	vst v63  }
0x58: {  	_ =	swait.ge [sflag:s30], $0xA00  }
0x59: {  	[sflag:s30] =	ssyncset.done $0x0  }
0x5a: {  	[sflag:s30] =	ssyncadd.s32 $0xFFFFF600  }
0x5b: {  	[spmem:s2] =	stream.indirect.scatter.add.f32 [tilespmem:s7], [sflag:$0x1], $0x80, s6, s11, $0xb8;
	[tilespmem:$0x12D90] =	vst v63  }
0x5c: {  	s15 =	simm.s32 $0x1;
	_ =	swait.ge [sflag:s30], $0x2800  }
0x5d: {  	s9 =	simm.s32 $0x2;
	s8 =	sand.u32 $0x1, s15;
	[sflag:s30] =	ssyncset.done $0x0  }
0x5e: {  	s5 =	sadd.s32 $0xA, s14;
	s7 =	smul.u32 $0x2800, s8;
	[sflag:s30] =	ssyncadd.s32 $0xFFFFD800  }
0x5f: {  	[spmem:s12] =	stream.indirect.scatter.add.f32 [tilespmem:s4], [sflag:$0x1], $0x20, s6, s11, $0xb8;
	[tilespmem:$0x12D90] =	vst v63  }
0x60: {  	s6 =	sadd.s32 $0xA, s28;
	s4 =	sadd.s32 $0x140, s26;
	_ =	swait.ge [sflag:s30], $0xA00  }
.LBB2_2:
0x61: {  	s10 =	smul.u32 $0x50, s8  }
0x62: {  	[sflag:s30] =	ssyncset.done $0x0;
	s13 =	smov.u32 s9;
	s15 =	sadd.s32 $0x1, s9  }
0x63: {  	p0 =	sne.s32 s9, $0xF9;
	[sflag:s30] =	ssyncadd.s32 $0xFFFFF600  }
0x64: {  	[tilespmem:s10], [sflag:$0x1] =	stream.linear.gather [hbm4b:s6+s3], $0x50, $0x38;
	[tilespmem:$0x12D90] =	vst v63  }
0x65: {  	_ =	swait.ge [sflag:s30], $0x50  }
0x66: {  	s9 =	sadd.s32 $0xA0, s10;
	[sflag:s30] =	ssyncset.done $0x0  }
0x67: {  	s8 =	smul.u32 $0xA000, s8;
	[sflag:s30] =	ssyncadd.s32 $0xFFFFFFB0  }
0x68: {  	[tilespmem:s9], [sflag:$0x1] =	stream.linear.gather [hbm4b:s5+s3], $0x50, $0x38;
	[tilespmem:$0x12D90] =	vst v63  }
0x69: {  	s8 =	sshrl.u32 s8, $0x2;
	_ =	swait.ge [sflag:s30], $0x50  }
0x6a: {  	s8 =	sor.u32 $0x140, s8;
	[sflag:s30] =	ssyncset.done $0x0  }
0x6b: {  	[sflag:s30] =	ssyncadd.s32 $0xFFFFFFB0  }
0x6c: {  	[tilespmem:s8], [sflag:$0x1] =	stream.indirect.gather [hbm4b:s0+s11], $0x80, s10, s11, $0xb8;
	[tilespmem:$0x12D90] =	vst v63  }
0x6d: {  	s7 =	sshrl.u32 s7, $0x2;
	_ =	swait.ge [sflag:s30], $0x2800  }
0x6e: {  	s7 =	sor.u32 $0x5140, s7;
	[sflag:s30] =	ssyncset.done $0x0  }
0x6f: {  	[sflag:s30] =	ssyncadd.s32 $0xFFFFD800  }
0x70: {  	[tilespmem:s7], [sflag:$0x1] =	stream.linear.gather [hbm4b:s4+s3], $0xA00, $0x38;
	[tilespmem:$0x12D90] =	vst v63  }
0x71: {  	_ =	swait.ge [sflag:s30], $0xA00  }
0x72: {  	[sflag:s30] =	ssyncset.done $0x0  }
0x73: {  	[sflag:s30] =	ssyncadd.s32 $0xFFFFF600  }
0x74: {  	[spmem:s2] =	stream.indirect.scatter.add.f32 [tilespmem:s8], [sflag:$0x1], $0x80, s9, s11, $0xb8;
	[tilespmem:$0x12D90] =	vst v63  }
.Ltmp0:
0x75: {  	_ =	swait.ge [sflag:s30], $0x2800;
	(pc) =	sbr.rel @p0 .LBB2_2-.Ltmp0, $4  }
0x76: {  	s6 =	sadd.s32 $0xA, s6;
	s5 =	sadd.s32 $0xA, s5;
	[sflag:s30] =	ssyncset.done $0x0  }
0x77: {  	s4 =	sadd.s32 $0x140, s4;
	s8 =	sand.u32 $0x1, s13;
	[sflag:s30] =	ssyncadd.s32 $0xFFFFD800  }
0x78: {  	[spmem:s12] =	stream.indirect.scatter.add.f32 [tilespmem:s7], [sflag:$0x1], $0x20, s9, s11, $0xb8;
	[tilespmem:$0x12D90] =	vst v63  }
0x79: {  	s7 =	smul.u32 $0x2800, s8;
	s9 =	smov.u32 s15;
	_ =	swait.ge [sflag:s30], $0xA00  }
0x7a: {  	s9 =	smul.u32 $0x50, s8;
	[sflag:s30] =	ssyncset.done $0x0  }
0x7b: {  	[sflag:s30] =	ssyncadd.s32 $0xFFFFF600  }
0x7c: {  	[tilespmem:s9], [sflag:$0x1] =	stream.linear.gather [hbm4b:s6+s3], $0x50, $0x38;
	[tilespmem:$0x12D90] =	vst v63  }
0x7d: {  	_ =	swait.ge [sflag:s30], $0x50  }
0x7e: {  	[sflag:s30] =	ssyncset.done $0x0  }
0x7f: {  	s15 =	smul.u32 $0xA000, s8;
	s13 =	sadd.s32 $0xA0, s9;
	[sflag:s30] =	ssyncadd.s32 $0xFFFFFFB0  }
0x80: {  	[tilespmem:s13], [sflag:$0x1] =	stream.linear.gather [hbm4b:s5+s3], $0x50, $0x38;
	[tilespmem:$0x12D90] =	vst v63  }
0x81: {  	_ =	swait.ge [sflag:s30], $0x50  }
0x82: {  	s5 =	sshrl.u32 s15, $0x2;
	[sflag:s30] =	ssyncset.done $0x0  }
0x83: {  	s5 =	sor.u32 $0x140, s5;
	[sflag:s30] =	ssyncadd.s32 $0xFFFFFFB0  }
0x84: {  	[tilespmem:s5], [sflag:$0x1] =	stream.indirect.gather [hbm4b:s0+s11], $0x80, s9, s11, $0xb8;
	[tilespmem:$0x12D90] =	vst v63  }
0x85: {  	_ =	swait.ge [sflag:s30], $0x2800  }
0x86: {  	s7 =	sshrl.u32 s7, $0x2;
	[sflag:s30] =	ssyncset.done $0x0  }
0x87: {  	s7 =	sor.u32 $0x5140, s7;
	[sflag:s30] =	ssyncadd.s32 $0xFFFFD800  }
0x88: {  	[tilespmem:s7], [sflag:$0x1] =	stream.linear.gather [hbm4b:s4+s3], $0xA00, $0x38;
	[tilespmem:$0x12D90] =	vst v63  }
0x89: {  	_ =	swait.ge [sflag:s30], $0xA00  }
0x8a: {  	[sflag:s30] =	ssyncset.done $0x0  }
0x8b: {  	[sflag:s30] =	ssyncadd.s32 $0xFFFFF600  }
0x8c: {  	[spmem:s2] =	stream.indirect.scatter.add.f32 [tilespmem:s5], [sflag:$0x1], $0x80, s13, s11, $0xb8;
	[tilespmem:$0x12D90] =	vst v63  }
0x8d: {  	_ =	swait.ge [sflag:s30], $0x2800  }
0x8e: {  	[sflag:s30] =	ssyncset.done $0x0  }
0x8f: {  	[sflag:s30] =	ssyncadd.s32 $0xFFFFD800  }
0x90: {  	[spmem:s12] =	stream.indirect.scatter.add.f32 [tilespmem:s7], [sflag:$0x1], $0x20, s13, s11, $0xb8;
	[tilespmem:$0x12D90] =	vst v63  }
0x91: {  	_ =	swait.ge [sflag:s30], $0xA00  }
0x92: {  	[sflag:s30] =	ssyncset.done $0x0  }
0x93: {  	[sflag:s30] =	ssyncadd.s32 $0xFFFFF600  }
0x94: {  	[bflag:$0x0] =	sbarrier.arrive $0xFFFF  }
0x95: {  	[tilespmem:s29], [sflag:$0x1] =	stream.linear.gather [spmem:s17], $0x2800, $0x38;
	[tilespmem:$0x12D90] =	vst v63  }
0x96: {  	_ =	swait.ge [sflag:s30], $0x2800  }
0x97: {  	[sflag:s30] =	ssyncset.done $0x0  }
0x98: {  	s5 =	rddreg [dreg:$0x6];
	[sflag:s30] =	ssyncadd.s32 $0xFFFFD800  }
0x99: {  	[hbm4b:s5+s3] =	stream.linear.scatter [tilespmem:s29], [sflag:$0x1], $0x2800, $0x38;
	[tilespmem:$0x12D90] =	vst v63  }
0x9a: {  	_ =	swait.ge [sflag:s30], $0x2800  }
0x9b: {  	[sflag:s30] =	ssyncset.done $0x0  }
0x9c: {  	[sflag:s30] =	ssyncadd.s32 $0xFFFFD800  }
0x9d: {  	[tilespmem:s31], [sflag:$0x1] =	stream.linear.gather [spmem:s18], $0xA00, $0x38;
	[tilespmem:$0x12D90] =	vst v63  }
0x9e: {  	_ =	swait.ge [sflag:s30], $0xA00  }
0x9f: {  	[sflag:s30] =	ssyncset.done $0x0  }
0xa0: {  	s6 =	rddreg [dreg:$0x7];
	[sflag:s30] =	ssyncadd.s32 $0xFFFFF600  }
0xa1: {  	[hbm4b:s6+s3] =	stream.linear.scatter [tilespmem:s31], [sflag:$0x1], $0xA00, $0x38;
	[tilespmem:$0x12D90] =	vst v63  }
0xa2: {  	_ =	swait.ge [sflag:s30], $0xA00  }
0xa3: {  	[sflag:s30] =	ssyncset.done $0x0  }
0xa4: {  	[sflag:s30] =	ssyncadd.s32 $0xFFFFF600  }
0xa5: {  	[tilespmem:s29], [sflag:$0x1] =	stream.linear.gather [spmem:s19], $0x2800, $0x38;
	[tilespmem:$0x12D90] =	vst v63  }
0xa6: {  	_ =	swait.ge [sflag:s30], $0x2800  }
0xa7: {  	[sflag:s30] =	ssyncset.done $0x0  }
0xa8: {  	s7 =	rddreg [dreg:$0x8];
	[sflag:s30] =	ssyncadd.s32 $0xFFFFD800  }
0xa9: {  	[hbm4b:s7+s3] =	stream.linear.scatter [tilespmem:s29], [sflag:$0x1], $0x2800, $0x38;
	[tilespmem:$0x12D90] =	vst v63  }
0xaa: {  	_ =	swait.ge [sflag:s30], $0x2800  }
0xab: {  	[sflag:s30] =	ssyncset.done $0x0  }
0xac: {  	[sflag:s30] =	ssyncadd.s32 $0xFFFFD800  }
0xad: {  	[tilespmem:s31], [sflag:$0x1] =	stream.linear.gather [spmem:s20], $0xA00, $0x38;
	[tilespmem:$0x12D90] =	vst v63  }
0xae: {  	_ =	swait.ge [sflag:s30], $0xA00  }
0xaf: {  	[sflag:s30] =	ssyncset.done $0x0  }
0xb0: {  	s8 =	rddreg [dreg:$0xb];
	[sflag:s30] =	ssyncadd.s32 $0xFFFFF600  }
0xb1: {  	[hbm4b:s8+s3] =	stream.linear.scatter [tilespmem:s31], [sflag:$0x1], $0xA00, $0x38;
	[tilespmem:$0x12D90] =	vst v63  }
0xb2: {  	_ =	swait.ge [sflag:s30], $0xA00  }
0xb3: {  	[sflag:s30] =	ssyncset.done $0x0  }
0xb4: {  	[sflag:s30] =	ssyncadd.s32 $0xFFFFF600  }
0xb5: {  	[tilespmem:s29], [sflag:$0x1] =	stream.linear.gather [spmem:s21], $0x2800, $0x38;
	[tilespmem:$0x12D90] =	vst v63  }
0xb6: {  	_ =	swait.ge [sflag:s30], $0x2800  }
0xb7: {  	[sflag:s30] =	ssyncset.done $0x0  }
0xb8: {  	s9 =	rddreg [dreg:$0x9];
	[sflag:s30] =	ssyncadd.s32 $0xFFFFD800  }
0xb9: {  	[hbm4b:s9+s3] =	stream.linear.scatter [tilespmem:s29], [sflag:$0x1], $0x2800, $0x38;
	[tilespmem:$0x12D90] =	vst v63  }
0xba: {  	_ =	swait.ge [sflag:s30], $0x2800  }
0xbb: {  	[sflag:s30] =	ssyncset.done $0x0  }
0xbc: {  	[sflag:s30] =	ssyncadd.s32 $0xFFFFD800  }
0xbd: {  	[tilespmem:s31], [sflag:$0x1] =	stream.linear.gather [spmem:s22], $0xA00, $0x38;
	[tilespmem:$0x12D90] =	vst v63  }
0xbe: {  	_ =	swait.ge [sflag:s30], $0xA00  }
0xbf: {  	[sflag:s30] =	ssyncset.done $0x0  }
0xc0: {  	s10 =	rddreg [dreg:$0xc];
	[sflag:s30] =	ssyncadd.s32 $0xFFFFF600  }
0xc1: {  	[hbm4b:s10+s3] =	stream.linear.scatter [tilespmem:s31], [sflag:$0x1], $0xA00, $0x38;
	[tilespmem:$0x12D90] =	vst v63  }
0xc2: {  	_ =	swait.ge [sflag:s30], $0xA00  }
0xc3: {  	[sflag:s30] =	ssyncset.done $0x0  }
0xc4: {  	[sflag:s30] =	ssyncadd.s32 $0xFFFFF600  }
0xc5: {  	[tilespmem:s29], [sflag:$0x1] =	stream.linear.gather [spmem:s23], $0x2800, $0x38;
	[tilespmem:$0x12D90] =	vst v63  }
0xc6: {  	_ =	swait.ge [sflag:s30], $0x2800  }
0xc7: {  	[sflag:s30] =	ssyncset.done $0x0  }
0xc8: {  	s13 =	rddreg [dreg:$0xa];
	[sflag:s30] =	ssyncadd.s32 $0xFFFFD800  }
0xc9: {  	[hbm4b:s13+s3] =	stream.linear.scatter [tilespmem:s29], [sflag:$0x1], $0x2800, $0x38;
	[tilespmem:$0x12D90] =	vst v63  }
0xca: {  	_ =	swait.ge [sflag:s30], $0x2800  }
0xcb: {  	[sflag:s30] =	ssyncset.done $0x0  }
0xcc: {  	[sflag:s30] =	ssyncadd.s32 $0xFFFFD800  }
0xcd: {  	[tilespmem:s31], [sflag:$0x1] =	stream.linear.gather [spmem:s24], $0xA00, $0x38;
	[tilespmem:$0x12D90] =	vst v63  }
0xce: {  	s1 =	sadd.s32 $0x1, s1;
	_ =	swait.ge [sflag:s30], $0xA00  }
0xcf: {  	p0 =	sne.s32 s1, s25;
	[sflag:s30] =	ssyncset.done $0x0  }
.Ltmp1:
0xd0: {  	s15 =	rddreg [dreg:$0xd];
	[sflag:s30] =	ssyncadd.s32 $0xFFFFF600;
	(pc) =	sbr.rel @p0 .LBB2_1-.Ltmp1, $4  }
0xd1: {  	[hbm4b:s15+s3] =	stream.linear.scatter [tilespmem:s31], [sflag:$0x1], $0xA00, $0x38;
	[tilespmem:$0x12D90] =	vst v63  }
0xd2: {  	_ =	swait.ge [sflag:s30], $0xA00  }
0xd3: {  	[sflag:s30] =	ssyncset.done $0x0  }
0xd4: {  	[sflag:s30] =	ssyncadd.s32 $0xFFFFF600  }
0xd5: {  	_ =	sfence.sel $0x180000  }
0xd6: {  	[bflag:$0x0] =	sbarrier.arrive $0xFFFF  }
0xd7: {  	_ =	strace $0x9000004A  }
0xd8: {  	s0 =	stileid.u32;
	[bflag:$0x2] =	sbarrier.arrive $0xFFFF  }
0xd9: {  	p0 =	sne.s32 s0, $0x0;
	s0 =	rddreg [dreg:$0x5]  }
0xda: {  	s0 =	sadd.s32 @!p0 $0x100000, s0  }
0xdb: {  	[sflag:s0] =	ssyncadd.tile.s32 @!p0 $0x1;
	_ =	shalt  }
.Lfunc_end2:
_tile_overlayer_lowered:
.L_overlay_start_2:
0xdc: {  	(tag) =	ssettag $0x2  }
0xdd: {  	s0 =	rddreg [dreg:$0x0];
	s2 =	stileid.u32  }
0xde: {  	s1 =	rddreg [dreg:$0x1];
	p0 =	sne.s32 s2, $0x0  }
0xdf: {  	s3 =	rddreg [dreg:$0x2];
	[bflag:$0x3] =	sbarrier.arrive $0xFFFF;
	s2 =	simm.s32 @!p0 $0x1C01  }
0xe0: {  	[timem:s3], [sflag:s2] =	dma.local @!p0 [hbm:s0], s1  }
0xe1: {  	s0 =	simm.s32 @!p0 $0x1  }
0xe2: {  	_ =	swait.ge @!p0 [sflag:s0], s1  }
0xe3: {  	s1 =	ssub.s32 @!p0 $0x0, s1;
	[sflag:s0] =	ssyncset.done @!p0 $0x0  }
0xe4: {  	[sflag:s0] =	ssyncadd.s32 @!p0 s1  }
0xe5: {  	[bflag:$0x3] =	sbarrier.arrive $0xFFFF  }
0xe6: {  	_ =	shalt  }

// kernel: sparse-core-data-format-call.cloned.1.call-start
scs
called_computation_lowered:
.L_overlay_start_0:
0x0: {  	s1 =	sld [smem:$0x3FD9]  }
0x1: {  	s2 =	sld [smem:$0x3FFE];
	_ =	sdelay $0x1  }
0x2: {  	s3 =	srdreg.scid  }
0x3: {  	s0 =	sand.u32 $0x1, s3  }
0x4: {  	s17 =	sshll.u32 s0, $0xA;
	s1 =	sadd.s32 s2, s1  }
0x5: {  	s1 =	sadd.s32 s1, s17  }
0x6: {  	[smem:$0x3FC1] =	sst s1  }
0x7: {  	_ = 	snop  }
0x8: {  	(tm) =	ssettm $0x1  }
0x9: {  	s18 =	sld [smem:$0x3FFB];
	_ =	sdelay $0x3  }
0xa: {  	_ =	strace s18  }
0xb: {  	s1 =	sld [smem:$0x3FFC];
	_ =	sdelay $0x3  }
0xc: {  	_ =	strace s1  }
0xd: {  	s1 =	sld [smem:$0x3FFD];
	_ =	sdelay $0x3  }
0xe: {  	_ =	strace s1  }
0xf: {  	_ =	strace $0x8FFFFFFF  }
0x10: {  	s19 =	sld [smem:$0x3FDB];
	_ =	sdelay $0x1  }
0x11: {  	s20 =	simm.s32 $_scs_section_size  }
0x12: {  	s4 =	simm.s32 $_size__tile_overlayer_lowered;
	s5 =	simm.s32 $_tile_overlayer_lowered  }
0x13: {  	s23 =	simm.s32 $0x1BFF;
	s22 =	sshll.u32 s5, $0x1;
	s1 =	sadd.s32 s20, s19  }
0x14: {  	s6 =	simm.s32 $0x0;
	s21 =	sshll.u32 s4, $0x1;
	s4 =	sadd.s32 s22, s1  }
0x15: {  	[timem:s6], [sflag:s23] =	dma.local [hbm:s4], s21  }
0x16: {  	_ =	swait.ge [sflag:s23], s21  }
0x17: {  	s2 =	ssub.s32 $0x0, s21;
	[sflag:s23] =	ssyncset.done $0x0  }
0x18: {  	[sflag:s23] =	ssyncadd.s32 s2;
	_ =	sdelay $0x1  }
0x19: {  	s24 =	simm.s32 $0x1B8B  }
0x1a: {  	_ =	swait.ge [sflag:s24], $0x1  }
0x1b: {  	[sflag:s24] =	ssyncset.done $0x0  }
0x1c: {  	s26 =	simm.s32 $0x1B8E;
	s25 =	sld [smem:$0x3FFE];
	[sflag:s24] =	ssyncadd.s32 $0xFFFFFFFF  }
0x1d: {  	s27 =	simm.s32 $execute0_lowered;
	[smem:$0x3FD2] =	sst s26  }
0x1e: {  	s4 =	sshll.u32 s27, $0x1;
	_ =	strace $0x80000046;
	[dreg:$0x1] =	wrdreg $0xFFFFFFFF  }
0x1f: {  	s28 =	simm.s32 $_size_execute0_lowered;
	s1 =	sadd.s32 s1, s4;
	[dreg:$0x0] =	wrdreg $0x0  }
0x20: {  	s4 =	sshll.u32 s28, $0x1;
	[dreg:$0x2] =	wrdreg s1  }
0x21: {  	[dreg:$0x3] =	wrdreg s4  }
0x22: {  	[dreg:$0x4] =	wrdreg $0xC0  }
0x23: {  	_ =	task [dreg:s6], $0x5FFFF  }
0x24: {  	[dreg:$0x1] =	wrdreg $0xFFFFFFFF  }
0x25: {  	[dreg:$0x0] =	wrdreg $0x60  }
0x26: {  	[dreg:$0x2] =	wrdreg s25  }
0x27: {  	[dreg:$0x3] =	wrdreg $0x9  }
0x28: {  	_ =	task.clear_ibuf [dreg:s6], $0x4FFFF;
	_ =	strace $0x90000046  }
0x29: {  	s29 =	simm.s32 $0x9;
	_ =	strace $0x80000048  }
0x2a: {  	_ =	swait.ge [sflag:s29], $0x1  }
0x2b: {  	[sflag:s29] =	ssyncadd.s32 $0xFFFFFFFF  }
0x2c: {  	_ =	strace $0x90000048  }
0x2d: {  	_ =	sfence  }
0x2e: {  	s30 =	sld [smem:$0x0];
	_ =	sdelay $0x2  }
0x2f: {  	s31 =	sshll.u32 s3, $0xD;
	s3 =	sshrl.u32 s3, $0x2  }
0x30: {  	s2 =	sand.u32 $0x4000, s31;
	s1 =	sadd.s32 s3, s30  }
0x31: {  	s0 =	sor.u32 s2, s0;
	s1 =	sshll.u32 s1, $0x11  }
0x32: {  	s0 =	sor.u32 s1, s0  }
0x33: {  	s0 =	sadd.s32 $0x8F2B, s0  }
0x34: {  	[sflag:s0] =	ssyncadd.remote.s32 $0x1  }
0x35: {  	_ =	sfence.sel $0xFFFF  }
0x36: {  	[dreg:$0x0] =	wrdreg $0xFFFFFFFF;
	(pc) =	sbr.abs _section_cstart, $3  }
0x37: {  	[dreg:$0x1] =	wrdreg $0xFFFFFFFF  }
0x38: {  	_ =	task.clear_ibuf [dreg:s6], $0x2FFFF;
	_ =	strace $0x9FFFFFFF  }
0x39: {  	(tm) =	ssettm $0x7FFFFFFF  }
tec
execute0_lowered:
.L_overlay_start_1:
0x0: {  	(tag) =	ssettag $0x1  }
0x1: {  	s0 =	srdreg.scid  }
0x2: {  	s6 =	rddreg [dreg:$0x0];
	s7 =	simm.s32 $0x1;
	s1 =	sshll.u32 s0, $0x4  }
0x3: {  	s8 =	simm.s32 $0x2;
	s0 =	stileid.u32;
	s1 =	sand.u32 $0x10, s1  }
0x4: {  	s13 =	simm.s32 $0x0;
	s12 =	simm.s32 $0x0;
	s1 =	sor.u32 s0, s1  }
0x5: {  	s10 =	simm.s32 $0x0;
	s11 =	simm.s32 $0x0;
	s2 =	sshll.u32 s1, $0x9  }
0x6: {  	s3 =	sadd.s32 $0x1C00, s6;
	s6 =	sadd.s32 $0x13A400, s6;
	s5 =	ssub.s32 $0x4E200, s2  }
.Ltmp0:
0x7: {  	s1 =	rddreg [dreg:$0x1];
	s4 =	sand.u32 $0x3E00, s5;
	(pc) =	sbr.rel .LBB1_1-.Ltmp0, $4  }
0x8: {  	_ =	strace $0x80000047;
	s9 =	smov.u32 s2;
	p0 =	sne.s32 s4, $0x0  }
0x9: {  	s5 =	sshrl.u32 s5, $0xE;
	s4 =	simm.s32 $0x1;
	s7 =	simm.s32 @!p0 $0x0  }
0xa: {  	[sflag:s4] =	ssyncpa.u1 $0x0;
	p0 =	por $0x0, $0x0;
	s5 =	sadd.s32 s7, s5  }
0xb: {  	[sflag:s8] =	ssyncpa.u1 $0x0;
	s8 =	simm.s32 $0x80;
	s7 =	sadd.s32 $0x1, s5  }
.LBB1_4:
0xc: {  	_ = 	snop  }
0xd: {  	[tilespmem:s18+$0x2D60 ss:$0x21] =	vst.msk $0xffff, v7  }
0xe: {  	[tilespmem:s18+$0x2F70 ss:$0x21] =	vst.msk $0xffff, v6  }
0xf: {  	[tilespmem:s18+$0x3390 ss:$0x21] =	vst.msk $0xffff, v3  }
0x10: {  	s21 =	sor.u32 s24, s23;
	v31 =	vld.idx.msk [tilespmem:v0+s16+$0xC70 ss:$0x1], $0xffff;
	[tilespmem:s18+$0x35A0 ss:$0x21] =	vst.msk $0xffff, v1  }
0x11: {  	[tilespmem:s18+$0x37B0 ss:$0x21] =	vst.msk $0xffff, v2;
	v43 =	vld.idx.msk [tilespmem:v0+s21+$0x410 ss:$0x1], $0xffff  }
0x12: {  	[tilespmem:s18+$0x39C0 ss:$0x21] =	vst.msk $0xffff, v4;
	v44 =	vld.idx.msk [tilespmem:v0+s21+$0x420 ss:$0x1], $0xffff  }
0x13: {  	[tilespmem:s18+$0x3BD0 ss:$0x21] =	vst.msk $0xffff, v5;
	s22 =	sand.u32 $0x3200, s21;
	v45 =	vld.idx.msk [tilespmem:v0+s21+$0x430 ss:$0x1], $0xffff  }
0x14: {  	s20 =	sand.u32 $0x180, s20;
	s25 =	sshra.s32 s19, $0x2;
	[tilespmem:s18+$0x3DE0 ss:$0x21] =	vst.msk $0xffff, v8;
	v46 =	vld.idx.msk [tilespmem:v0+s21+$0x440 ss:$0x1], $0xffff;
	s15 =	sadd.s32 s22, s15  }
0x15: {  	v47 =	vld.idx.msk [tilespmem:v0+s21+$0x450 ss:$0x1], $0xffff;
	s24 =	sadd.s32 s20, s15;
	s15 =	sadd.s32 s25, s17;
	[tilespmem:s18+$0x3FF0 ss:$0x21] =	vst.msk $0xffff, v31  }
0x16: {  	v48 =	vld.idx.msk [tilespmem:v0+s21+$0x460 ss:$0x1], $0xffff;
	[tilespmem:s15+$0x1290 ss:$0x21] =	vst.msk $0xffff, v43  }
0x17: {  	v49 =	vld.idx.msk [tilespmem:v0+s21+$0x470 ss:$0x1], $0xffff;
	[tilespmem:s15+$0x14A0 ss:$0x21] =	vst.msk $0xffff, v44  }
0x18: {  	v50 =	vld.idx.msk [tilespmem:v0+s21+$0x810 ss:$0x1], $0xffff;
	[tilespmem:s15+$0x16B0 ss:$0x21] =	vst.msk $0xffff, v45  }
0x19: {  	v51 =	vld.idx.msk [tilespmem:v0+s21+$0x820 ss:$0x1], $0xffff;
	[tilespmem:s15+$0x18C0 ss:$0x21] =	vst.msk $0xffff, v46  }
0x1a: {  	v52 =	vld.idx.msk [tilespmem:v0+s21+$0x830 ss:$0x1], $0xffff;
	[tilespmem:s15+$0x1AD0 ss:$0x21] =	vst.msk $0xffff, v47  }
0x1b: {  	v53 =	vld.idx.msk [tilespmem:v0+s21+$0x840 ss:$0x1], $0xffff;
	[tilespmem:s15+$0x1CE0 ss:$0x21] =	vst.msk $0xffff, v48  }
0x1c: {  	v54 =	vld.idx.msk [tilespmem:v0+s21+$0x850 ss:$0x1], $0xffff;
	[tilespmem:s15+$0x1EF0 ss:$0x21] =	vst.msk $0xffff, v49  }
0x1d: {  	v55 =	vld.idx.msk [tilespmem:v0+s21+$0x860 ss:$0x1], $0xffff;
	[tilespmem:s15+$0x2310 ss:$0x21] =	vst.msk $0xffff, v50  }
0x1e: {  	v56 =	vld.idx.msk [tilespmem:v0+s21+$0x870 ss:$0x1], $0xffff;
	[tilespmem:s15+$0x2520 ss:$0x21] =	vst.msk $0xffff, v51  }
0x1f: {  	v57 =	vld.idx.msk [tilespmem:v0+s21+$0xC10 ss:$0x1], $0xffff;
	[tilespmem:s15+$0x2730 ss:$0x21] =	vst.msk $0xffff, v52  }
0x20: {  	v58 =	vld.idx.msk [tilespmem:v0+s21+$0xC20 ss:$0x1], $0xffff;
	[tilespmem:s15+$0x2940 ss:$0x21] =	vst.msk $0xffff, v53  }
0x21: {  	v59 =	vld.idx.msk [tilespmem:v0+s21+$0xC30 ss:$0x1], $0xffff;
	[tilespmem:s15+$0x2B50 ss:$0x21] =	vst.msk $0xffff, v54  }
0x22: {  	v60 =	vld.idx.msk [tilespmem:v0+s21+$0xC40 ss:$0x1], $0xffff;
	[tilespmem:s15+$0x2D60 ss:$0x21] =	vst.msk $0xffff, v55  }
0x23: {  	v61 =	vld.idx.msk [tilespmem:v0+s21+$0xC50 ss:$0x1], $0xffff;
	[tilespmem:s15+$0x2F70 ss:$0x21] =	vst.msk $0xffff, v56  }
0x24: {  	v62 =	vld.idx.msk [tilespmem:v0+s21+$0xC60 ss:$0x1], $0xffff;
	[tilespmem:s15+$0x3390 ss:$0x21] =	vst.msk $0xffff, v57  }
0x25: {  	v63 =	vld.idx.msk [tilespmem:v0+s21+$0xC70 ss:$0x1], $0xffff;
	[tilespmem:s15+$0x35A0 ss:$0x21] =	vst.msk $0xffff, v58  }
0x26: {  	v32 =	vld [tilespmem:s24+$0xC00];
	[tilespmem:s15+$0x37B0 ss:$0x21] =	vst.msk $0xffff, v59  }
0x27: {  	v33 =	vld [tilespmem:s24+$0x0];
	[tilespmem:s15+$0x39C0 ss:$0x21] =	vst.msk $0xffff, v60  }
0x28: {  	v34 =	vld [tilespmem:s24+$0x10];
	[tilespmem:s15+$0x3BD0 ss:$0x21] =	vst.msk $0xffff, v61  }
0x29: {  	s13 =	sshll.u32 s13, $0x7;
	s26 =	sshll.u32 s12, $0x3;
	v35 =	vld [tilespmem:s24+$0x20];
	[tilespmem:s15+$0x3DE0 ss:$0x21] =	vst.msk $0xffff, v62  }
0x2a: {  	s27 =	sand.u32 $0xFFFFFC00, s13;
	s16 =	sand.u32 $0xFFFFFC00, s26;
	v36 =	vld [tilespmem:s24+$0x30];
	[tilespmem:s15+$0x3FF0 ss:$0x21] =	vst.msk $0xffff, v63  }
0x2b: {  	s13 =	sand.u32 $0x380, s13;
	s16 =	sadd.s32 s16, s27;
	v37 =	vld [tilespmem:s24+$0x40];
	[tilespmem:s15+$0x3180 ss:$0x21] =	vst.msk $0xffff, v32  }
0x2c: {  	s13 =	sor.u32 s13, s16;
	v38 =	vld [tilespmem:s24+$0x50];
	[tilespmem:s15+$0x0 ss:$0x21] =	vst.msk $0xffff, v33  }
0x2d: {  	v39 =	vld [tilespmem:s24+$0x60];
	s13 =	sshrl.u32 s13, $0x7;
	[tilespmem:s15+$0x210 ss:$0x21] =	vst.msk $0xffff, v34  }
0x2e: {  	v40 =	vld [tilespmem:s24+$0x70];
	s28 =	smulhi.u32 $0x1A36E2F, s13;
	[tilespmem:s15+$0x420 ss:$0x21] =	vst.msk $0xffff, v35  }
0x2f: {  	v41 =	vld [tilespmem:s24+$0x400];
	[tilespmem:s15+$0x630 ss:$0x21] =	vst.msk $0xffff, v36  }
0x30: {  	v42 =	vld [tilespmem:s24+$0x800];
	s16 =	sshrl.u32 s28, $0xB;
	[tilespmem:s15+$0x840 ss:$0x21] =	vst.msk $0xffff, v37  }
0x31: {  	s16 =	smul.u32 $0x4E200, s16;
	[tilespmem:s15+$0xA50 ss:$0x21] =	vst.msk $0xffff, v38  }
0x32: {  	s29 =	sshrl.u32 s12, $0x3;
	[tilespmem:s15+$0xC60 ss:$0x21] =	vst.msk $0xffff, v39  }
0x33: {  	s31 =	sand.u32 $0x7, s12;
	s30 =	sand.u32 $0xF, s29;
	[tilespmem:s15+$0xE70 ss:$0x21] =	vst.msk $0xffff, v40;
	s13 =	ssub.s32 s13, s16  }
0x34: {  	s12 =	sshll.u32 s31, $0x12;
	[tilespmem:s15+$0x1080 ss:$0x21] =	vst.msk $0xffff, v41;
	s16 =	sadd.s32 s6, s30;
	s13 =	sshll.u32 s13, $0x4  }
0x35: {  	s12 =	sor.u32 $0x20, s12;
	[tilespmem:s15+$0x2100 ss:$0x21] =	vst.msk $0xffff, v42;
	s13 =	sadd.s32 s13, s16  }
0x36: {  	[hbm4b:s13+s12] =	stream.strided.scatter [tilespmem:s14], [sflag:$0x2], $0x4000, s8, s12, $0x10;
	[tilespmem:$0x10400] =	vst v63  }
.LBB1_5:
0x37: {  	s14 =	sadd.s32 $0x4000, s9  }
0x38: {  	s12 =	sadd.s32 $0x20, s10;
	s16 =	smov.u32 s10;
	p2 =	sgt.s32 s14, $0x4E1FF  }
0x39: {  	s16 =	smov.u32 @p2 s12  }
0x3a: {  	s14 =	smov.u32 @p2 s2;
	p2 =	sgt.s32 s16, $0x1F  }
0x3b: {  	s16 =	simm.s32 @p2 $0x0;
	p2 =	sne.s32 s11, s7  }
.Ltmp1:
0x3c: {  	p1 =	slt.u32 s11, $0x2;
	(pc) =	sbr.rel @!p2 .LBB1_6-.Ltmp1, $4  }
0x3d: {  	s15 =	simm.s32 @!p1 $0x2  }
0x3e: {  	s13 =	smov.u32 s9;
	p0 =	por !p0, !p0;
	_ =	swait.ge @!p1 [sflag:s15], $0x4000  }
0x3f: {  	s12 =	smov.u32 s10;
	[sflag:s15] =	ssyncset.done @!p1 $0x0;
	s9 =	smov.u32 s14  }
0x40: {  	s11 =	sadd.s32 $0x1, s11;
	[sflag:s15] =	ssyncadd.s32 @!p1 $0xFFFFC000;
	s10 =	smov.u32 s16  }
.LBB1_1:
0x41: {  	p1 =	sge.u32 s11, s5  }
0x42: {  	s14 =	sshrl.u32 @!p1 s10, $0x3  }
0x43: {  	s15 =	sshll.u32 @!p1 s9, $0x3;
	s14 =	smul.u32 @!p1 $0x271000, s14  }
0x44: {  	s16 =	sshll.u32 @!p1 s10, $0x7;
	s15 =	sand.u32 @!p1 $0xFFFFFC00, s15  }
0x45: {  	s14 =	sadd.s32 @!p1 s14, s15;
	s15 =	sand.u32 @!p1 $0x380, s16  }
0x46: {  	s16 =	sand.u32 @!p1 $0x7F, s9;
	s14 =	sor.u32 @!p1 s15, s14  }
0x47: {  	s15 =	sor.u32 @!p1 s16, s14  }
0x48: {  	s16 =	smulhi.u32 @!p1 $0xD1B71759, s15;
	_ =	sdelay $0x1  }
0x49: {  	s14 =	smulhi.u32 @!p1 $0xD1B71759, s14;
	s16 =	sshrl.u32 @!p1 s16, $0x12  }
0x4a: {  	s16 =	smul.u32 @!p1 $0x4E200, s16  }
0x4b: {  	s31 =	sadd.s32 $0xFFFFFFFF, s11;
	s17 =	sxor.u32 @!p1 $0xFFFFFFFF, s11;
	s14 =	sshrl.u32 @!p1 s14, $0x12  }
0x4c: {  	s17 =	sshll.u32 @!p1 s17, $0xE;
	s14 =	sand.u32 @!p1 $0x1F, s14;
	s15 =	ssub.s32 @!p1 s15, s16  }
0x4d: {  	s14 =	smul.u32 @!p1 $0x9C40, s14;
	s16 =	sshrl.u32 @!p1 s15, $0x3;
	s15 =	sand.u32 @!p1 $0x7, s15  }
0x4e: {  	s17 =	sand.u32 @!p1 $0x4000, s17;
	s16 =	sadd.s32 @!p1 s3, s16;
	s15 =	sshll.u32 @!p1 s15, $0x12  }
0x4f: {  	s14 =	sadd.s32 @!p1 s14, s16;
	s15 =	sor.u32 @!p1 $0x1000, s15;
	s16 =	simm.s32 @!p1 $0x271000  }
0x50: {  	[tilespmem:s17], [sflag:$0x1] =	stream.strided.gather @!p1 [hbm4b:s14+s15], $0x4000, s16, s15, $0x38;
	[tilespmem:$0x10400] =	vst v63  }
0x51: {  	p1 =	sge.u32 s31, s5  }
.Ltmp2:
0x52: {  	_ = 	snop;
	(pc) =	sbr.rel @p1 .LBB1_5-.Ltmp2, $1  }
0x53: {  	_ =	sdelay $0x3  }
0x54: {  	s17 =	simm.s32 $0x0  }
0x55: {  	s16 =	sand.u32 $0x3000, s17;
	s18 =	sand.u32 $0x380, s17  }
0x56: {  	s14 =	sand.u32 $0x1, s11;
	s16 =	sor.u32 s18, s16  }
0x57: {  	_ =	swait.ge [sflag:s4], $0x4000;
	s15 =	sshll.u32 s14, $0xE;
	s18 =	sand.u32 $0x3200, s16  }
0x58: {  	[sflag:s4] =	ssyncset.done $0x0;
	s17 =	sand.u32 $0x180, s17;
	s18 =	sadd.s32 s18, s15  }
0x59: {  	[sflag:s4] =	ssyncadd.s32 $0xFFFFC000;
	s20 =	sadd.s32 s17, s18  }
0x5a: {  	v4 =	vld [tilespmem:s20+$0xC00]  }
0x5b: {  	s19 =	simm.s32 $0x1;
	v0 =	vmov s15;
	v5 =	vld [tilespmem:s20+$0x0]  }
0x5c: {  	s19 =	simm.s32 @!p0 $0x0;
	v6 =	vld [tilespmem:s20+$0x10]  }
0x5d: {  	s31 =	smul.u32 $0x10800, s19;
	v7 =	vld [tilespmem:s20+$0x20]  }
0x5e: {  	v8 =	vld [tilespmem:s20+$0x30]  }
0x5f: {  	s17 =	sshrl.u32 s31, $0x2;
	v9 =	vld [tilespmem:s20+$0x40]  }
0x60: {  	s17 =	sor.u32 $0x8000, s17;
	v1 =	vld.idx.msk [tilespmem:v0+s16+$0x410 ss:$0x1], $0xffff  }
0x61: {  	v2 =	vld.idx.msk [tilespmem:v0+s16+$0x420 ss:$0x1], $0xffff;
	s18 =	sadd.s32 $0x0, s17  }
0x62: {  	v3 =	vld.idx.msk [tilespmem:v0+s16+$0x430 ss:$0x1], $0xffff;
	[tilespmem:s18+$0x3180 ss:$0x21] =	vst.msk $0xffff, v4  }
0x63: {  	v10 =	vld.idx.msk [tilespmem:v0+s16+$0x820 ss:$0x1], $0xffff;
	[tilespmem:s18+$0x0 ss:$0x21] =	vst.msk $0xffff, v5  }
0x64: {  	v11 =	vld.idx.msk [tilespmem:v0+s16+$0x830 ss:$0x1], $0xffff;
	[tilespmem:s18+$0x210 ss:$0x21] =	vst.msk $0xffff, v6  }
0x65: {  	v12 =	vld.idx.msk [tilespmem:v0+s16+$0x840 ss:$0x1], $0xffff;
	[tilespmem:s18+$0x420 ss:$0x21] =	vst.msk $0xffff, v7  }
0x66: {  	v13 =	vld.idx.msk [tilespmem:v0+s16+$0x850 ss:$0x1], $0xffff;
	[tilespmem:s18+$0x630 ss:$0x21] =	vst.msk $0xffff, v8  }
0x67: {  	v4 =	vld [tilespmem:s20+$0x50];
	[tilespmem:s18+$0x840 ss:$0x21] =	vst.msk $0xffff, v9  }
0x68: {  	v5 =	vld [tilespmem:s20+$0x60];
	[tilespmem:s18+$0x1290 ss:$0x21] =	vst.msk $0xffff, v1  }
0x69: {  	v6 =	vld [tilespmem:s20+$0x70];
	[tilespmem:s18+$0x14A0 ss:$0x21] =	vst.msk $0xffff, v2  }
0x6a: {  	v7 =	vld [tilespmem:s20+$0x400];
	[tilespmem:s18+$0x16B0 ss:$0x21] =	vst.msk $0xffff, v3  }
0x6b: {  	v8 =	vld [tilespmem:s20+$0x800];
	[tilespmem:s18+$0x2520 ss:$0x21] =	vst.msk $0xffff, v10  }
0x6c: {  	v9 =	vld.idx.msk [tilespmem:v0+s16+$0x470 ss:$0x1], $0xffff;
	[tilespmem:s18+$0x2730 ss:$0x21] =	vst.msk $0xffff, v11  }
0x6d: {  	v3 =	vld.idx.msk [tilespmem:v0+s16+$0xC10 ss:$0x1], $0xffff;
	[tilespmem:s18+$0x2940 ss:$0x21] =	vst.msk $0xffff, v12  }
0x6e: {  	v1 =	vld.idx.msk [tilespmem:v0+s16+$0xC20 ss:$0x1], $0xffff;
	[tilespmem:s18+$0x2B50 ss:$0x21] =	vst.msk $0xffff, v13  }
0x6f: {  	v2 =	vld.idx.msk [tilespmem:v0+s16+$0xC30 ss:$0x1], $0xffff;
	[tilespmem:s18+$0xA50 ss:$0x21] =	vst.msk $0xffff, v4  }
0x70: {  	[tilespmem:s18+$0xE70 ss:$0x21] =	vst.msk $0xffff, v6;
	v6 =	vld.idx.msk [tilespmem:v0+s16+$0x460 ss:$0x1], $0xffff  }
0x71: {  	v4 =	vld.idx.msk [tilespmem:v0+s16+$0x440 ss:$0x1], $0xffff;
	[tilespmem:s18+$0xC60 ss:$0x21] =	vst.msk $0xffff, v5  }
0x72: {  	v5 =	vld.idx.msk [tilespmem:v0+s16+$0x450 ss:$0x1], $0xffff;
	[tilespmem:s18+$0x1080 ss:$0x21] =	vst.msk $0xffff, v7  }
0x73: {  	[tilespmem:s18+$0x2100 ss:$0x21] =	vst.msk $0xffff, v8;
	v8 =	vld.idx.msk [tilespmem:v0+s16+$0x810 ss:$0x1], $0xffff  }
0x74: {  	v7 =	vld.idx.msk [tilespmem:v0+s16+$0x860 ss:$0x1], $0xffff;
	[tilespmem:s18+$0x1EF0 ss:$0x21] =	vst.msk $0xffff, v9  }
0x75: {  	s14 =	smul.u32 $0x10800, s14;
	[tilespmem:s18+$0x1CE0 ss:$0x21] =	vst.msk $0xffff, v6;
	v6 =	vld.idx.msk [tilespmem:v0+s16+$0x870 ss:$0x1], $0xffff  }
0x76: {  	s21 =	simm.s32 $0x200;
	s22 =	simm.s32 $0x8;
	[tilespmem:s18+$0x18C0 ss:$0x21] =	vst.msk $0xffff, v4;
	v4 =	vld.idx.msk [tilespmem:v0+s16+$0xC40 ss:$0x1], $0xffff  }
0x77: {  	s23 =	sand.u32 $0x3000, s21;
	s14 =	sshrl.u32 s14, $0x2;
	s20 =	simm.s32 $0x80;
	[tilespmem:s18+$0x1AD0 ss:$0x21] =	vst.msk $0xffff, v5;
	v5 =	vld.idx.msk [tilespmem:v0+s16+$0xC50 ss:$0x1], $0xffff  }
0x78: {  	s19 =	simm.s32 $0x4;
	s14 =	sor.u32 $0x8000, s14;
	s24 =	sand.u32 $0x380, s20;
	[tilespmem:s18+$0x2310 ss:$0x21] =	vst.msk $0xffff, v8;
	v8 =	vld.idx.msk [tilespmem:v0+s16+$0xC60 ss:$0x1], $0xffff  }
.LBB1_3:
0x79: {  	p1 =	sne.s32 s22, $0x7C;
	[tilespmem:s18+$0x2D60 ss:$0x21] =	vst.msk $0xffff, v7;
	v7 =	vld.idx.msk [tilespmem:v0+s16+$0xC70 ss:$0x1], $0xffff;
	s16 =	sor.u32 s24, s23  }
0x7a: {  	s23 =	sand.u32 $0x3200, s16;
	v9 =	vld.idx.msk [tilespmem:v0+s16+$0x410 ss:$0x1], $0xffff;
	[tilespmem:s18+$0x2F70 ss:$0x21] =	vst.msk $0xffff, v6  }
0x7b: {  	s24 =	sand.u32 $0x180, s20;
	s23 =	sadd.s32 s23, s15;
	v6 =	vld.idx.msk [tilespmem:v0+s16+$0x420 ss:$0x1], $0xffff;
	[tilespmem:s18+$0x3390 ss:$0x21] =	vst.msk $0xffff, v3  }
0x7c: {  	s23 =	sadd.s32 s24, s23;
	v3 =	vld.idx.msk [tilespmem:v0+s16+$0x430 ss:$0x1], $0xffff;
	[tilespmem:s18+$0x35A0 ss:$0x21] =	vst.msk $0xffff, v1  }
0x7d: {  	v1 =	vld [tilespmem:s23+$0xC00];
	[tilespmem:s18+$0x37B0 ss:$0x21] =	vst.msk $0xffff, v2  }
0x7e: {  	v2 =	vld [tilespmem:s23+$0x0];
	[tilespmem:s18+$0x39C0 ss:$0x21] =	vst.msk $0xffff, v4  }
0x7f: {  	v4 =	vld [tilespmem:s23+$0x10];
	[tilespmem:s18+$0x3BD0 ss:$0x21] =	vst.msk $0xffff, v5  }
0x80: {  	s24 =	sshra.s32 s19, $0x2;
	s19 =	smov.u32 s22;
	v5 =	vld [tilespmem:s23+$0x20];
	[tilespmem:s18+$0x3DE0 ss:$0x21] =	vst.msk $0xffff, v8  }
0x81: {  	v8 =	vld [tilespmem:s23+$0x30];
	[tilespmem:s18+$0x3FF0 ss:$0x21] =	vst.msk $0xffff, v7;
	s18 =	sadd.s32 s24, s17  }
0x82: {  	v7 =	vld [tilespmem:s23+$0x40];
	[tilespmem:s18+$0x3180 ss:$0x21] =	vst.msk $0xffff, v1  }
0x83: {  	[tilespmem:s18+$0x0 ss:$0x21] =	vst.msk $0xffff, v2;
	v1 =	vld [tilespmem:s23+$0x50]  }
0x84: {  	[tilespmem:s18+$0x210 ss:$0x21] =	vst.msk $0xffff, v4;
	v2 =	vld [tilespmem:s23+$0x60]  }
0x85: {  	[tilespmem:s18+$0x420 ss:$0x21] =	vst.msk $0xffff, v5;
	v4 =	vld [tilespmem:s23+$0x70]  }
0x86: {  	[tilespmem:s18+$0x630 ss:$0x21] =	vst.msk $0xffff, v8;
	v5 =	vld [tilespmem:s23+$0x400]  }
0x87: {  	[tilespmem:s18+$0x840 ss:$0x21] =	vst.msk $0xffff, v7;
	v7 =	vld [tilespmem:s23+$0x800]  }
0x88: {  	[tilespmem:s18+$0xA50 ss:$0x21] =	vst.msk $0xffff, v1;
	v1 =	vld.idx.msk [tilespmem:v0+s16+$0x440 ss:$0x1], $0xffff  }
0x89: {  	[tilespmem:s18+$0xC60 ss:$0x21] =	vst.msk $0xffff, v2;
	v2 =	vld.idx.msk [tilespmem:v0+s16+$0x450 ss:$0x1], $0xffff  }
0x8a: {  	[tilespmem:s18+$0xE70 ss:$0x21] =	vst.msk $0xffff, v4;
	v4 =	vld.idx.msk [tilespmem:v0+s16+$0x460 ss:$0x1], $0xffff  }
0x8b: {  	[tilespmem:s18+$0x1080 ss:$0x21] =	vst.msk $0xffff, v5;
	v5 =	vld.idx.msk [tilespmem:v0+s16+$0x470 ss:$0x1], $0xffff  }
0x8c: {  	[tilespmem:s18+$0x2100 ss:$0x21] =	vst.msk $0xffff, v7;
	v8 =	vld.idx.msk [tilespmem:v0+s16+$0x810 ss:$0x1], $0xffff  }
0x8d: {  	[tilespmem:s18+$0x1290 ss:$0x21] =	vst.msk $0xffff, v9;
	v9 =	vld.idx.msk [tilespmem:v0+s16+$0x820 ss:$0x1], $0xffff  }
0x8e: {  	[tilespmem:s18+$0x14A0 ss:$0x21] =	vst.msk $0xffff, v6;
	v10 =	vld.idx.msk [tilespmem:v0+s16+$0x830 ss:$0x1], $0xffff  }
0x8f: {  	[tilespmem:s18+$0x16B0 ss:$0x21] =	vst.msk $0xffff, v3;
	v11 =	vld.idx.msk [tilespmem:v0+s16+$0x840 ss:$0x1], $0xffff  }
0x90: {  	[tilespmem:s18+$0x18C0 ss:$0x21] =	vst.msk $0xffff, v1;
	v12 =	vld.idx.msk [tilespmem:v0+s16+$0x850 ss:$0x1], $0xffff  }
0x91: {  	[tilespmem:s18+$0x1AD0 ss:$0x21] =	vst.msk $0xffff, v2;
	v7 =	vld.idx.msk [tilespmem:v0+s16+$0x860 ss:$0x1], $0xffff  }
0x92: {  	[tilespmem:s18+$0x1CE0 ss:$0x21] =	vst.msk $0xffff, v4;
	v6 =	vld.idx.msk [tilespmem:v0+s16+$0x870 ss:$0x1], $0xffff  }
0x93: {  	[tilespmem:s18+$0x1EF0 ss:$0x21] =	vst.msk $0xffff, v5;
	v3 =	vld.idx.msk [tilespmem:v0+s16+$0xC10 ss:$0x1], $0xffff  }
.Ltmp3:
0x94: {  	[tilespmem:s18+$0x2310 ss:$0x21] =	vst.msk $0xffff, v8;
	v1 =	vld.idx.msk [tilespmem:v0+s16+$0xC20 ss:$0x1], $0xffff;
	(pc) =	sbr.rel @p1 .LBB1_3-.Ltmp3, $4  }
0x95: {  	[tilespmem:s18+$0x2520 ss:$0x21] =	vst.msk $0xffff, v9;
	v2 =	vld.idx.msk [tilespmem:v0+s16+$0xC30 ss:$0x1], $0xffff  }
0x96: {  	[tilespmem:s18+$0x2730 ss:$0x21] =	vst.msk $0xffff, v10;
	v4 =	vld.idx.msk [tilespmem:v0+s16+$0xC40 ss:$0x1], $0xffff  }
0x97: {  	s20 =	sadd.s32 $0x80, s20;
	s21 =	sadd.s32 $0x200, s21;
	[tilespmem:s18+$0x2940 ss:$0x21] =	vst.msk $0xffff, v11;
	v5 =	vld.idx.msk [tilespmem:v0+s16+$0xC50 ss:$0x1], $0xffff  }
0x98: {  	s22 =	sadd.s32 $0x4, s22;
	s24 =	sand.u32 $0x380, s20;
	s23 =	sand.u32 $0x3000, s21;
	[tilespmem:s18+$0x2B50 ss:$0x21] =	vst.msk $0xffff, v12;
	v8 =	vld.idx.msk [tilespmem:v0+s16+$0xC60 ss:$0x1], $0xffff  }
.Ltmp4:
0x99: {  	_ = 	snop;
	(pc) =	sbr.rel .LBB1_4-.Ltmp4, $1  }
0x9a: {  	_ =	sdelay $0x3  }
.LBB1_6:
0x9b: {  	_ =	sfence.sel $0x180000  }
0x9c: {  	s2 =	simm.s32 $0x1;
	[bflag:$0x0] =	sbarrier.arrive $0xFFFF  }
0x9d: {  	s31 =	simm.s32 $0x2;
	[sflag:s2] =	ssyncpa.u1 $0x1  }
0x9e: {  	[sflag:s31] =	ssyncpa.u1 $0x1  }
0x9f: {  	p0 =	sne.s32 s0, $0x0;
	_ =	strace $0x90000047  }
0xa0: {  	s0 =	sadd.s32 @!p0 $0x100000, s1;
	[bflag:$0x2] =	sbarrier.arrive $0xFFFF  }
0xa1: {  	[sflag:s0] =	ssyncadd.tile.s32 @!p0 $0x1;
	_ =	shalt  }
.Lfunc_end1:
_tile_overlayer_lowered:
.L_overlay_start_2:
0xa2: {  	(tag) =	ssettag $0x2  }
0xa3: {  	s0 =	rddreg [dreg:$0x0];
	s2 =	stileid.u32  }
0xa4: {  	s1 =	rddreg [dreg:$0x1];
	p0 =	sne.s32 s2, $0x0  }
0xa5: {  	s3 =	rddreg [dreg:$0x2];
	[bflag:$0x3] =	sbarrier.arrive $0xFFFF;
	s2 =	simm.s32 @!p0 $0x1C01  }
0xa6: {  	[timem:s3], [sflag:s2] =	dma.local @!p0 [hbm:s0], s1  }
0xa7: {  	s0 =	simm.s32 @!p0 $0x1  }
0xa8: {  	_ =	swait.ge @!p0 [sflag:s0], s1  }
0xa9: {  	s1 =	ssub.s32 @!p0 $0x0, s1;
	[sflag:s0] =	ssyncset.done @!p0 $0x0  }
0xaa: {  	[sflag:s0] =	ssyncadd.s32 @!p0 s1  }
0xab: {  	[bflag:$0x3] =	sbarrier.arrive $0xFFFF  }
0xac: {  	_ =	shalt  }

</sc_bundles>
